<compile_context>
chip_gen: v7x
topology: tpu7x:2x2x1
jax: 0.10.2.dev20260603
libtpu: 0.0.44.dev20260713+nightly
codegen_flags: <defaults>
</compile_context>

<pallas_src>
import functools

import jax
import jax.numpy as jnp
from jax import lax
from jax.experimental import pallas as pl
from jax.experimental.pallas import tpu as pltpu
from jax.experimental.pallas import tpu_sc as plsc

NUM_CORES = 2
NUM_SUBCORES = 16
NUM_WORKERS = NUM_CORES * NUM_SUBCORES

NBUF = 8
INFLIGHT = 4


def _make_gather(batch: int, seq: int, emb_dim: int):
  assert batch % NUM_WORKERS == 0
  n_chunks = batch // NUM_WORKERS
  assert n_chunks > NBUF >= INFLIGHT
  mesh = plsc.VectorSubcoreMesh(core_axis_name="c", subcore_axis_name="s")

  @functools.partial(
      pl.kernel,
      out_type=jax.ShapeDtypeStruct((batch, seq, emb_dim), jnp.float32),
      mesh=mesh,
      compiler_params=pltpu.CompilerParams(use_tc_tiling_on_sc=False),
      scratch_types=[
          pltpu.VMEM((n_chunks, seq), jnp.int32),
          pltpu.VMEM((NBUF, seq, emb_dim), jnp.float32),
          pltpu.SemaphoreType.DMA((NBUF,)),
          pltpu.SemaphoreType.DMA((NBUF,)),
      ],
  )
  def gather_kernel(ids_hbm, table_hbm, out_hbm, idx_v, rows_v, gsem, ssem):
    wid = lax.axis_index("s") * NUM_CORES + lax.axis_index("c")
    base = wid * n_chunks
    pltpu.sync_copy(ids_hbm.at[pl.ds(base, n_chunks)], idx_v)

    def start_gather(c, b):
      pltpu.async_copy(table_hbm.at[idx_v.at[c]], rows_v.at[b], gsem.at[b])

    def wait_gather(b):
      pltpu.make_async_copy(out_hbm.at[0], rows_v.at[b], gsem.at[b]).wait()

    def start_store(c, b):
      pltpu.async_copy(rows_v.at[b], out_hbm.at[base + c], ssem.at[b])

    def wait_store(b):
      pltpu.make_async_copy(rows_v.at[b], out_hbm.at[0], ssem.at[b]).wait()

    for c in range(INFLIGHT):
      start_gather(c, c)

    def body(j, carry):
      nxt = j + INFLIGHT

      @pl.when(nxt < n_chunks)
      def _issue():
        b_nxt = nxt % NBUF

        @pl.when(nxt >= NBUF)
        def _reclaim():
          wait_store(b_nxt)

        start_gather(nxt, b_nxt)

      b = j % NBUF
      wait_gather(b)
      start_store(j, b)
      return carry

    lax.fori_loop(0, n_chunks, body, 0)

    for b in range(NBUF):
      wait_store(b)

  return gather_kernel


def kernel(input_ids, attention_mask, weight):
  batch, seq = input_ids.shape
  _, emb_dim = weight.shape
  out = _make_gather(batch, seq, emb_dim)(input_ids.astype(jnp.int32), weight)
  return out, attention_mask

# --- scband reference (transcript-rebuilt; emitter-appended) ---
"""Pipeline reference for scband-word-embeddings-88682484728094 (READ-ONLY COPY).

The authoritative reference and input builder live on the scoring server;
editing this copy changes nothing except your own understanding.
"""

import jax, jax.numpy as jnp
import numpy as np

VOCAB = 1000000
EMB_DIM = 64
BATCH = 4096
SEQ = 50

def setup_inputs(seed: int = 0) -> dict:
    key = jax.random.key(seed)
    k_ids, k_w = jax.random.split(key)
    input_ids = jax.random.randint(k_ids, (BATCH, SEQ), 0, VOCAB, dtype=jnp.int64 if jax.config.jax_enable_x64 else jnp.int32)
    attention_mask = jnp.ones((BATCH, SEQ), dtype=input_ids.dtype)
    weight = jax.random.normal(k_w, (VOCAB, EMB_DIM), dtype=jnp.float32)
    return {"input_ids": input_ids, "attention_mask": attention_mask, "weight": weight}

def reference(input_ids, attention_mask, weight):
    # WordEmbeddings.forward: token_embeddings = emb_layer(features['input_ids'])
    token_embeddings = jnp.take(weight, input_ids, axis=0)
    # cls_token_embeddings is None; attention_mask is passed through unchanged
    return (token_embeddings, attention_mask)

if __name__ == "__main__":
    import jax
    _d = setup_inputs()
    print(jax.jit(kernel)(*tuple(_d.values())))

</pallas_src>

<mosaic_0001>
#map = affine_map<(d0, d1) -> (0, 0)>
#map1 = affine_map<(d0, d1) -> (0, 0, 0)>
module attributes {stable_mosaic.version = 14 : i64} {
  func.func @gather_kernel(%arg0: i32, %arg1: i32, %arg2: memref<4096x50xi32, #tpu.memory_space<hbm>>, %arg3: memref<1000000x64xf32, #tpu.memory_space<hbm>>, %arg4: memref<4096x50x64xf32, #tpu.memory_space<hbm>>, %arg5: memref<128x50xi32, #tpu.memory_space<vmem>>, %arg6: memref<8x50x64xf32, #tpu.memory_space<vmem>>, %arg7: memref<8x!tpu.dma_semaphore, #tpu.memory_space<semaphore_mem>>, %arg8: memref<8x!tpu.dma_semaphore, #tpu.memory_space<semaphore_mem>>) attributes {dimension_semantics = [#tpu.dimension_semantics<core_parallel>, #tpu.dimension_semantics<subcore_parallel>], iteration_bounds = array<i64: 2, 16>, scalar_prefetch = 0 : i64, scratch_operands = 4 : i64, tpu.core_type = #tpu.core_type<sc_vector_subcore>, window_params = [{transform_indices = #map}, {transform_indices = #map}, {transform_indices = #map1}]} {
    %mul3A = arith.constant 2 : i32
    %mul3A_0 = arith.muli %arg1, %mul3A : i32
    %add3A = arith.addi %mul3A_0, %arg0 : i32
    %mul3A_1 = arith.constant 128 : i32
    %mul3A_2 = arith.muli %add3A, %mul3A_1 : i32
    "tpu.region"() ({
      %run_scoped3A = tpu.sem_alloc : memref<!tpu.dma_semaphore, #tpu.memory_space<semaphore_mem>>
      %dma_start3A_234 = arith.constant 0 : i32
      %dma_start3A_235 = tpu.memref_slice %arg2[%mul3A_2, %dma_start3A_234] : memref<4096x50xi32, #tpu.memory_space<hbm>> -> memref<128x50xi32, #tpu.memory_space<hbm>>
      %dma_start3A_236 = arith.constant 0 : i32
      %dma_start3A_237 = tpu.memref_slice %arg2[%mul3A_2, %dma_start3A_236] : memref<4096x50xi32, #tpu.memory_space<hbm>> -> memref<128x50xi32, #tpu.memory_space<hbm>>
      tpu.enqueue_dma source(%dma_start3A_237 : memref<128x50xi32, #tpu.memory_space<hbm>>) target(%arg5 : memref<128x50xi32, #tpu.memory_space<vmem>>) target_semaphore(%run_scoped3A : memref<!tpu.dma_semaphore, #tpu.memory_space<semaphore_mem>>)
      %dma_wait3A_238 = arith.constant 0 : i32
      %dma_wait3A_239 = tpu.memref_slice %arg2[%mul3A_2, %dma_wait3A_238] : memref<4096x50xi32, #tpu.memory_space<hbm>> -> memref<128x50xi32, #tpu.memory_space<hbm>>
      %dma_wait3A_240 = arith.constant 0 : i32
      %dma_wait3A_241 = tpu.memref_slice %arg2[%mul3A_2, %dma_wait3A_240] : memref<4096x50xi32, #tpu.memory_space<hbm>> -> memref<128x50xi32, #tpu.memory_space<hbm>>
      tpu.wait_dma2 semaphore(%run_scoped3A : memref<!tpu.dma_semaphore, #tpu.memory_space<semaphore_mem>>) src(%dma_wait3A_241 : memref<128x50xi32, #tpu.memory_space<hbm>>) dst(%arg5 : memref<128x50xi32, #tpu.memory_space<vmem>>)
      tpu.yield
    }) : () -> ()
    %dma_start3A = arith.constant 0 : i32
    %dma_start3A_3 = arith.constant 0 : i32
    %dma_start3A_4 = arith.constant 0 : i32
    %dma_start3A_5 = arith.constant 0 : i32
    %dma_start3A_6 = arith.constant 0 : i32
    %dma_start3A_7 = tpu.memref_slice %arg6[%dma_start3A_3, %dma_start3A_5, %dma_start3A_6] : memref<8x50x64xf32, #tpu.memory_space<vmem>> -> memref<1x50x64xf32, #tpu.memory_space<vmem>>
    %dma_start3A_8 = tpu.memref_squeeze %dma_start3A_7 : memref<1x50x64xf32, #tpu.memory_space<vmem>> -> memref<50x64xf32, #tpu.memory_space<vmem>>
    %dma_start3A_9 = arith.constant 0 : i32
    %dma_start3A_10 = tpu.memref_slice %arg5[%dma_start3A, %dma_start3A_9] : memref<128x50xi32, #tpu.memory_space<vmem>> -> memref<1x50xi32, #tpu.memory_space<vmem>>
    %dma_start3A_11 = tpu.memref_squeeze %dma_start3A_10 : memref<1x50xi32, #tpu.memory_space<vmem>> -> memref<50xi32, #tpu.memory_space<vmem>>
    %dma_start3A_12 = arith.constant 0 : i32
    %dma_start3A_13 = arith.constant 0 : i32
    %dma_start3A_14 = tpu.memref_slice %arg3[%dma_start3A_12, %dma_start3A_13] : memref<1000000x64xf32, #tpu.memory_space<hbm>> -> memref<1000000x64xf32, #tpu.memory_space<hbm>>
    %dma_start3A_15 = tpu.memref_slice %arg7[%dma_start3A_4] : memref<8x!tpu.dma_semaphore, #tpu.memory_space<semaphore_mem>> -> memref<1x!tpu.dma_semaphore, #tpu.memory_space<semaphore_mem>>
    %dma_start3A_16 = tpu.memref_squeeze %dma_start3A_15 : memref<1x!tpu.dma_semaphore, #tpu.memory_space<semaphore_mem>> -> memref<!tpu.dma_semaphore, #tpu.memory_space<semaphore_mem>>
    tpu.enqueue_indirect_dma source(%dma_start3A_14 : memref<1000000x64xf32, #tpu.memory_space<hbm>>) target(%dma_start3A_8 : memref<50x64xf32, #tpu.memory_space<vmem>>) offsets(%dma_start3A_11 : memref<50xi32, #tpu.memory_space<vmem>>) semaphore(%dma_start3A_16 : memref<!tpu.dma_semaphore, #tpu.memory_space<semaphore_mem>>)
    %dma_start3A_17 = arith.constant 1 : i32
    %dma_start3A_18 = arith.constant 1 : i32
    %dma_start3A_19 = arith.constant 1 : i32
    %dma_start3A_20 = arith.constant 0 : i32
    %dma_start3A_21 = arith.constant 0 : i32
    %dma_start3A_22 = tpu.memref_slice %arg6[%dma_start3A_18, %dma_start3A_20, %dma_start3A_21] : memref<8x50x64xf32, #tpu.memory_space<vmem>> -> memref<1x50x64xf32, #tpu.memory_space<vmem>>
    %dma_start3A_23 = tpu.memref_squeeze %dma_start3A_22 : memref<1x50x64xf32, #tpu.memory_space<vmem>> -> memref<50x64xf32, #tpu.memory_space<vmem>>
    %dma_start3A_24 = arith.constant 0 : i32
    %dma_start3A_25 = tpu.memref_slice %arg5[%dma_start3A_17, %dma_start3A_24] : memref<128x50xi32, #tpu.memory_space<vmem>> -> memref<1x50xi32, #tpu.memory_space<vmem>>
    %dma_start3A_26 = tpu.memref_squeeze %dma_start3A_25 : memref<1x50xi32, #tpu.memory_space<vmem>> -> memref<50xi32, #tpu.memory_space<vmem>>
    %dma_start3A_27 = arith.constant 0 : i32
    %dma_start3A_28 = arith.constant 0 : i32
    %dma_start3A_29 = tpu.memref_slice %arg3[%dma_start3A_27, %dma_start3A_28] : memref<1000000x64xf32, #tpu.memory_space<hbm>> -> memref<1000000x64xf32, #tpu.memory_space<hbm>>
    %dma_start3A_30 = tpu.memref_slice %arg7[%dma_start3A_19] : memref<8x!tpu.dma_semaphore, #tpu.memory_space<semaphore_mem>> -> memref<1x!tpu.dma_semaphore, #tpu.memory_space<semaphore_mem>>
    %dma_start3A_31 = tpu.memref_squeeze %dma_start3A_30 : memref<1x!tpu.dma_semaphore, #tpu.memory_space<semaphore_mem>> -> memref<!tpu.dma_semaphore, #tpu.memory_space<semaphore_mem>>
    tpu.enqueue_indirect_dma source(%dma_start3A_29 : memref<1000000x64xf32, #tpu.memory_space<hbm>>) target(%dma_start3A_23 : memref<50x64xf32, #tpu.memory_space<vmem>>) offsets(%dma_start3A_26 : memref<50xi32, #tpu.memory_space<vmem>>) semaphore(%dma_start3A_31 : memref<!tpu.dma_semaphore, #tpu.memory_space<semaphore_mem>>)
    %dma_start3A_32 = arith.constant 2 : i32
    %dma_start3A_33 = arith.constant 2 : i32
    %dma_start3A_34 = arith.constant 2 : i32
    %dma_start3A_35 = arith.constant 0 : i32
    %dma_start3A_36 = arith.constant 0 : i32
    %dma_start3A_37 = tpu.memref_slice %arg6[%dma_start3A_33, %dma_start3A_35, %dma_start3A_36] : memref<8x50x64xf32, #tpu.memory_space<vmem>> -> memref<1x50x64xf32, #tpu.memory_space<vmem>>
    %dma_start3A_38 = tpu.memref_squeeze %dma_start3A_37 : memref<1x50x64xf32, #tpu.memory_space<vmem>> -> memref<50x64xf32, #tpu.memory_space<vmem>>
    %dma_start3A_39 = arith.constant 0 : i32
    %dma_start3A_40 = tpu.memref_slice %arg5[%dma_start3A_32, %dma_start3A_39] : memref<128x50xi32, #tpu.memory_space<vmem>> -> memref<1x50xi32, #tpu.memory_space<vmem>>
    %dma_start3A_41 = tpu.memref_squeeze %dma_start3A_40 : memref<1x50xi32, #tpu.memory_space<vmem>> -> memref<50xi32, #tpu.memory_space<vmem>>
    %dma_start3A_42 = arith.constant 0 : i32
    %dma_start3A_43 = arith.constant 0 : i32
    %dma_start3A_44 = tpu.memref_slice %arg3[%dma_start3A_42, %dma_start3A_43] : memref<1000000x64xf32, #tpu.memory_space<hbm>> -> memref<1000000x64xf32, #tpu.memory_space<hbm>>
    %dma_start3A_45 = tpu.memref_slice %arg7[%dma_start3A_34] : memref<8x!tpu.dma_semaphore, #tpu.memory_space<semaphore_mem>> -> memref<1x!tpu.dma_semaphore, #tpu.memory_space<semaphore_mem>>
    %dma_start3A_46 = tpu.memref_squeeze %dma_start3A_45 : memref<1x!tpu.dma_semaphore, #tpu.memory_space<semaphore_mem>> -> memref<!tpu.dma_semaphore, #tpu.memory_space<semaphore_mem>>
    tpu.enqueue_indirect_dma source(%dma_start3A_44 : memref<1000000x64xf32, #tpu.memory_space<hbm>>) target(%dma_start3A_38 : memref<50x64xf32, #tpu.memory_space<vmem>>) offsets(%dma_start3A_41 : memref<50xi32, #tpu.memory_space<vmem>>) semaphore(%dma_start3A_46 : memref<!tpu.dma_semaphore, #tpu.memory_space<semaphore_mem>>)
    %dma_start3A_47 = arith.constant 3 : i32
    %dma_start3A_48 = arith.constant 3 : i32
    %dma_start3A_49 = arith.constant 3 : i32
    %dma_start3A_50 = arith.constant 0 : i32
    %dma_start3A_51 = arith.constant 0 : i32
    %dma_start3A_52 = tpu.memref_slice %arg6[%dma_start3A_48, %dma_start3A_50, %dma_start3A_51] : memref<8x50x64xf32, #tpu.memory_space<vmem>> -> memref<1x50x64xf32, #tpu.memory_space<vmem>>
    %dma_start3A_53 = tpu.memref_squeeze %dma_start3A_52 : memref<1x50x64xf32, #tpu.memory_space<vmem>> -> memref<50x64xf32, #tpu.memory_space<vmem>>
    %dma_start3A_54 = arith.constant 0 : i32
    %dma_start3A_55 = tpu.memref_slice %arg5[%dma_start3A_47, %dma_start3A_54] : memref<128x50xi32, #tpu.memory_space<vmem>> -> memref<1x50xi32, #tpu.memory_space<vmem>>
    %dma_start3A_56 = tpu.memref_squeeze %dma_start3A_55 : memref<1x50xi32, #tpu.memory_space<vmem>> -> memref<50xi32, #tpu.memory_space<vmem>>
    %dma_start3A_57 = arith.constant 0 : i32
    %dma_start3A_58 = arith.constant 0 : i32
    %dma_start3A_59 = tpu.memref_slice %arg3[%dma_start3A_57, %dma_start3A_58] : memref<1000000x64xf32, #tpu.memory_space<hbm>> -> memref<1000000x64xf32, #tpu.memory_space<hbm>>
    %dma_start3A_60 = tpu.memref_slice %arg7[%dma_start3A_49] : memref<8x!tpu.dma_semaphore, #tpu.memory_space<semaphore_mem>> -> memref<1x!tpu.dma_semaphore, #tpu.memory_space<semaphore_mem>>
    %dma_start3A_61 = tpu.memref_squeeze %dma_start3A_60 : memref<1x!tpu.dma_semaphore, #tpu.memory_space<semaphore_mem>> -> memref<!tpu.dma_semaphore, #tpu.memory_space<semaphore_mem>>
    tpu.enqueue_indirect_dma source(%dma_start3A_59 : memref<1000000x64xf32, #tpu.memory_space<hbm>>) target(%dma_start3A_53 : memref<50x64xf32, #tpu.memory_space<vmem>>) offsets(%dma_start3A_56 : memref<50xi32, #tpu.memory_space<vmem>>) semaphore(%dma_start3A_61 : memref<!tpu.dma_semaphore, #tpu.memory_space<semaphore_mem>>)
    %scan3A = arith.constant 0 : i32
    %scan3A_62 = arith.constant 0 : i32
    %scan3A_63 = arith.constant 128 : i32
    %scan3A_64 = arith.addi %scan3A_62, %scan3A_63 : i32
    %scan3A_65 = arith.constant 1 : i32
    scf.for %scan3A_234 = %scan3A_62 to %scan3A_64 step %scan3A_65  : i32 {
      %add3A_235 = arith.constant 4 : i32
      %add3A_236 = arith.addi %scan3A_234, %add3A_235 : i32
      %lt3A = arith.constant 128 : i32
      %lt3A_237 = arith.cmpi slt, %add3A_236, %lt3A : i32
      %convert_element_type3A = arith.extui %lt3A_237 : i1 to i32
      %cond3A = arith.constant 0 : i32
      %cond3A_238 = arith.cmpi ne, %convert_element_type3A, %cond3A : i32
      scf.if %cond3A_238 {
        %jit3A_287 = arith.constant 8 : i32
        %eq3A_288 = arith.constant 0 : i32
        %eq3A_289 = arith.cmpi eq, %jit3A_287, %eq3A_288 : i32
        %jit3A_290 = arith.constant 1 : i32
        %select_n3A_291 = arith.select %eq3A_289, %jit3A_290, %jit3A_287 : i32
        %rem3A_292 = arith.remsi %add3A_236, %select_n3A_291 : i32
        %ne3A_293 = arith.constant 0 : i32
        %ne3A_294 = arith.cmpi ne, %rem3A_292, %ne3A_293 : i32
        %lt3A_295 = arith.constant 0 : i32
        %lt3A_296 = arith.cmpi slt, %rem3A_292, %lt3A_295 : i32
        %lt3A_297 = arith.constant 0 : i32
        %lt3A_298 = arith.cmpi slt, %select_n3A_291, %lt3A_297 : i32
        %ne3A_299 = arith.xori %lt3A_296, %lt3A_298 : i1
        %and3A_300 = arith.andi %ne3A_299, %ne3A_294 : i1
        %add3A_301 = arith.addi %rem3A_292, %select_n3A_291 : i32
        %select_n3A_302 = arith.select %and3A_300, %add3A_301, %rem3A_292 : i32
        %ge3A = arith.constant 8 : i32
        %ge3A_303 = arith.cmpi sge, %add3A_236, %ge3A : i32
        %convert_element_type3A_304 = arith.extui %ge3A_303 : i1 to i32
        %cond3A_305 = arith.constant 0 : i32
        %cond3A_306 = arith.cmpi ne, %convert_element_type3A_304, %cond3A_305 : i32
        scf.if %cond3A_306 {
          %dma_wait3A_319 = arith.constant 0 : i32
          %dma_wait3A_320 = arith.constant 0 : i32
          %dma_wait3A_321 = arith.constant 0 : i32
          %dma_wait3A_322 = tpu.memref_slice %arg6[%select_n3A_302, %dma_wait3A_320, %dma_wait3A_321] : memref<8x50x64xf32, #tpu.memory_space<vmem>> -> memref<1x50x64xf32, #tpu.memory_space<vmem>>
          %dma_wait3A_323 = tpu.memref_squeeze %dma_wait3A_322 : memref<1x50x64xf32, #tpu.memory_space<vmem>> -> memref<50x64xf32, #tpu.memory_space<vmem>>
          %dma_wait3A_324 = arith.constant 0 : i32
          %dma_wait3A_325 = arith.constant 0 : i32
          %dma_wait3A_326 = tpu.memref_slice %arg4[%dma_wait3A_319, %dma_wait3A_324, %dma_wait3A_325] : memref<4096x50x64xf32, #tpu.memory_space<hbm>> -> memref<1x50x64xf32, #tpu.memory_space<hbm>>
          %dma_wait3A_327 = tpu.memref_squeeze %dma_wait3A_326 : memref<1x50x64xf32, #tpu.memory_space<hbm>> -> memref<50x64xf32, #tpu.memory_space<hbm>>
          %dma_wait3A_328 = tpu.memref_slice %arg8[%select_n3A_302] : memref<8x!tpu.dma_semaphore, #tpu.memory_space<semaphore_mem>> -> memref<1x!tpu.dma_semaphore, #tpu.memory_space<semaphore_mem>>
          %dma_wait3A_329 = tpu.memref_squeeze %dma_wait3A_328 : memref<1x!tpu.dma_semaphore, #tpu.memory_space<semaphore_mem>> -> memref<!tpu.dma_semaphore, #tpu.memory_space<semaphore_mem>>
          %dma_wait3A_330 = arith.constant 0 : i32
          %dma_wait3A_331 = arith.constant 0 : i32
          %dma_wait3A_332 = tpu.memref_slice %arg4[%dma_wait3A_319, %dma_wait3A_330, %dma_wait3A_331] : memref<4096x50x64xf32, #tpu.memory_space<hbm>> -> memref<1x50x64xf32, #tpu.memory_space<hbm>>
          %dma_wait3A_333 = tpu.memref_squeeze %dma_wait3A_332 : memref<1x50x64xf32, #tpu.memory_space<hbm>> -> memref<50x64xf32, #tpu.memory_space<hbm>>
          %dma_wait3A_334 = arith.constant 0 : i32
          %dma_wait3A_335 = arith.constant 0 : i32
          %dma_wait3A_336 = tpu.memref_slice %arg6[%select_n3A_302, %dma_wait3A_334, %dma_wait3A_335] : memref<8x50x64xf32, #tpu.memory_space<vmem>> -> memref<1x50x64xf32, #tpu.memory_space<vmem>>
          %dma_wait3A_337 = tpu.memref_squeeze %dma_wait3A_336 : memref<1x50x64xf32, #tpu.memory_space<vmem>> -> memref<50x64xf32, #tpu.memory_space<vmem>>
          tpu.wait_dma2 semaphore(%dma_wait3A_329 : memref<!tpu.dma_semaphore, #tpu.memory_space<semaphore_mem>>) src(%dma_wait3A_337 : memref<50x64xf32, #tpu.memory_space<vmem>>) dst(%dma_wait3A_333 : memref<50x64xf32, #tpu.memory_space<hbm>>)
        } else {
        }
        %dma_start3A_307 = arith.constant 0 : i32
        %dma_start3A_308 = arith.constant 0 : i32
        %dma_start3A_309 = tpu.memref_slice %arg6[%select_n3A_302, %dma_start3A_307, %dma_start3A_308] : memref<8x50x64xf32, #tpu.memory_space<vmem>> -> memref<1x50x64xf32, #tpu.memory_space<vmem>>
        %dma_start3A_310 = tpu.memref_squeeze %dma_start3A_309 : memref<1x50x64xf32, #tpu.memory_space<vmem>> -> memref<50x64xf32, #tpu.memory_space<vmem>>
        %dma_start3A_311 = arith.constant 0 : i32
        %dma_start3A_312 = tpu.memref_slice %arg5[%add3A_236, %dma_start3A_311] : memref<128x50xi32, #tpu.memory_space<vmem>> -> memref<1x50xi32, #tpu.memory_space<vmem>>
        %dma_start3A_313 = tpu.memref_squeeze %dma_start3A_312 : memref<1x50xi32, #tpu.memory_space<vmem>> -> memref<50xi32, #tpu.memory_space<vmem>>
        %dma_start3A_314 = arith.constant 0 : i32
        %dma_start3A_315 = arith.constant 0 : i32
        %dma_start3A_316 = tpu.memref_slice %arg3[%dma_start3A_314, %dma_start3A_315] : memref<1000000x64xf32, #tpu.memory_space<hbm>> -> memref<1000000x64xf32, #tpu.memory_space<hbm>>
        %dma_start3A_317 = tpu.memref_slice %arg7[%select_n3A_302] : memref<8x!tpu.dma_semaphore, #tpu.memory_space<semaphore_mem>> -> memref<1x!tpu.dma_semaphore, #tpu.memory_space<semaphore_mem>>
        %dma_start3A_318 = tpu.memref_squeeze %dma_start3A_317 : memref<1x!tpu.dma_semaphore, #tpu.memory_space<semaphore_mem>> -> memref<!tpu.dma_semaphore, #tpu.memory_space<semaphore_mem>>
        tpu.enqueue_indirect_dma source(%dma_start3A_316 : memref<1000000x64xf32, #tpu.memory_space<hbm>>) target(%dma_start3A_310 : memref<50x64xf32, #tpu.memory_space<vmem>>) offsets(%dma_start3A_313 : memref<50xi32, #tpu.memory_space<vmem>>) semaphore(%dma_start3A_318 : memref<!tpu.dma_semaphore, #tpu.memory_space<semaphore_mem>>)
      } else {
      }
      %jit3A = arith.constant 8 : i32
      %eq3A = arith.constant 0 : i32
      %eq3A_239 = arith.cmpi eq, %jit3A, %eq3A : i32
      %jit3A_240 = arith.constant 1 : i32
      %select_n3A = arith.select %eq3A_239, %jit3A_240, %jit3A : i32
      %rem3A = arith.remsi %scan3A_234, %select_n3A : i32
      %ne3A = arith.constant 0 : i32
      %ne3A_241 = arith.cmpi ne, %rem3A, %ne3A : i32
      %lt3A_242 = arith.constant 0 : i32
      %lt3A_243 = arith.cmpi slt, %rem3A, %lt3A_242 : i32
      %lt3A_244 = arith.constant 0 : i32
      %lt3A_245 = arith.cmpi slt, %select_n3A, %lt3A_244 : i32
      %ne3A_246 = arith.xori %lt3A_243, %lt3A_245 : i1
      %and3A = arith.andi %ne3A_246, %ne3A_241 : i1
      %add3A_247 = arith.addi %rem3A, %select_n3A : i32
      %select_n3A_248 = arith.select %and3A, %add3A_247, %rem3A : i32
      %dma_wait3A_249 = arith.constant 0 : i32
      %dma_wait3A_250 = arith.constant 0 : i32
      %dma_wait3A_251 = arith.constant 0 : i32
      %dma_wait3A_252 = tpu.memref_slice %arg6[%select_n3A_248, %dma_wait3A_250, %dma_wait3A_251] : memref<8x50x64xf32, #tpu.memory_space<vmem>> -> memref<1x50x64xf32, #tpu.memory_space<vmem>>
      %dma_wait3A_253 = tpu.memref_squeeze %dma_wait3A_252 : memref<1x50x64xf32, #tpu.memory_space<vmem>> -> memref<50x64xf32, #tpu.memory_space<vmem>>
      %dma_wait3A_254 = arith.constant 0 : i32
      %dma_wait3A_255 = arith.constant 0 : i32
      %dma_wait3A_256 = tpu.memref_slice %arg4[%dma_wait3A_249, %dma_wait3A_254, %dma_wait3A_255] : memref<4096x50x64xf32, #tpu.memory_space<hbm>> -> memref<1x50x64xf32, #tpu.memory_space<hbm>>
      %dma_wait3A_257 = tpu.memref_squeeze %dma_wait3A_256 : memref<1x50x64xf32, #tpu.memory_space<hbm>> -> memref<50x64xf32, #tpu.memory_space<hbm>>
      %dma_wait3A_258 = tpu.memref_slice %arg7[%select_n3A_248] : memref<8x!tpu.dma_semaphore, #tpu.memory_space<semaphore_mem>> -> memref<1x!tpu.dma_semaphore, #tpu.memory_space<semaphore_mem>>
      %dma_wait3A_259 = tpu.memref_squeeze %dma_wait3A_258 : memref<1x!tpu.dma_semaphore, #tpu.memory_space<semaphore_mem>> -> memref<!tpu.dma_semaphore, #tpu.memory_space<semaphore_mem>>
      %dma_wait3A_260 = arith.constant 0 : i32
      %dma_wait3A_261 = arith.constant 0 : i32
      %dma_wait3A_262 = tpu.memref_slice %arg6[%select_n3A_248, %dma_wait3A_260, %dma_wait3A_261] : memref<8x50x64xf32, #tpu.memory_space<vmem>> -> memref<1x50x64xf32, #tpu.memory_space<vmem>>
      %dma_wait3A_263 = tpu.memref_squeeze %dma_wait3A_262 : memref<1x50x64xf32, #tpu.memory_space<vmem>> -> memref<50x64xf32, #tpu.memory_space<vmem>>
      %dma_wait3A_264 = arith.constant 0 : i32
      %dma_wait3A_265 = arith.constant 0 : i32
      %dma_wait3A_266 = tpu.memref_slice %arg4[%dma_wait3A_249, %dma_wait3A_264, %dma_wait3A_265] : memref<4096x50x64xf32, #tpu.memory_space<hbm>> -> memref<1x50x64xf32, #tpu.memory_space<hbm>>
      %dma_wait3A_267 = tpu.memref_squeeze %dma_wait3A_266 : memref<1x50x64xf32, #tpu.memory_space<hbm>> -> memref<50x64xf32, #tpu.memory_space<hbm>>
      tpu.wait_dma2 semaphore(%dma_wait3A_259 : memref<!tpu.dma_semaphore, #tpu.memory_space<semaphore_mem>>) src(%dma_wait3A_267 : memref<50x64xf32, #tpu.memory_space<hbm>>) dst(%dma_wait3A_263 : memref<50x64xf32, #tpu.memory_space<vmem>>)
      %add3A_268 = arith.addi %mul3A_2, %scan3A_234 : i32
      %dma_start3A_269 = arith.constant 0 : i32
      %dma_start3A_270 = arith.constant 0 : i32
      %dma_start3A_271 = tpu.memref_slice %arg6[%select_n3A_248, %dma_start3A_269, %dma_start3A_270] : memref<8x50x64xf32, #tpu.memory_space<vmem>> -> memref<1x50x64xf32, #tpu.memory_space<vmem>>
      %dma_start3A_272 = tpu.memref_squeeze %dma_start3A_271 : memref<1x50x64xf32, #tpu.memory_space<vmem>> -> memref<50x64xf32, #tpu.memory_space<vmem>>
      %dma_start3A_273 = arith.constant 0 : i32
      %dma_start3A_274 = arith.constant 0 : i32
      %dma_start3A_275 = tpu.memref_slice %arg4[%add3A_268, %dma_start3A_273, %dma_start3A_274] : memref<4096x50x64xf32, #tpu.memory_space<hbm>> -> memref<1x50x64xf32, #tpu.memory_space<hbm>>
      %dma_start3A_276 = tpu.memref_squeeze %dma_start3A_275 : memref<1x50x64xf32, #tpu.memory_space<hbm>> -> memref<50x64xf32, #tpu.memory_space<hbm>>
      %dma_start3A_277 = tpu.memref_slice %arg8[%select_n3A_248] : memref<8x!tpu.dma_semaphore, #tpu.memory_space<semaphore_mem>> -> memref<1x!tpu.dma_semaphore, #tpu.memory_space<semaphore_mem>>
      %dma_start3A_278 = tpu.memref_squeeze %dma_start3A_277 : memref<1x!tpu.dma_semaphore, #tpu.memory_space<semaphore_mem>> -> memref<!tpu.dma_semaphore, #tpu.memory_space<semaphore_mem>>
      %dma_start3A_279 = arith.constant 0 : i32
      %dma_start3A_280 = arith.constant 0 : i32
      %dma_start3A_281 = tpu.memref_slice %arg4[%add3A_268, %dma_start3A_279, %dma_start3A_280] : memref<4096x50x64xf32, #tpu.memory_space<hbm>> -> memref<1x50x64xf32, #tpu.memory_space<hbm>>
      %dma_start3A_282 = tpu.memref_squeeze %dma_start3A_281 : memref<1x50x64xf32, #tpu.memory_space<hbm>> -> memref<50x64xf32, #tpu.memory_space<hbm>>
      %dma_start3A_283 = arith.constant 0 : i32
      %dma_start3A_284 = arith.constant 0 : i32
      %dma_start3A_285 = tpu.memref_slice %arg6[%select_n3A_248, %dma_start3A_283, %dma_start3A_284] : memref<8x50x64xf32, #tpu.memory_space<vmem>> -> memref<1x50x64xf32, #tpu.memory_space<vmem>>
      %dma_start3A_286 = tpu.memref_squeeze %dma_start3A_285 : memref<1x50x64xf32, #tpu.memory_space<vmem>> -> memref<50x64xf32, #tpu.memory_space<vmem>>
      tpu.enqueue_dma source(%dma_start3A_286 : memref<50x64xf32, #tpu.memory_space<vmem>>) target(%dma_start3A_282 : memref<50x64xf32, #tpu.memory_space<hbm>>) target_semaphore(%dma_start3A_278 : memref<!tpu.dma_semaphore, #tpu.memory_space<semaphore_mem>>)
    }
    %scan3A_66 = arith.constant 128 : i32
    %dma_wait3A = arith.constant 0 : i32
    %dma_wait3A_67 = arith.constant 0 : i32
    %dma_wait3A_68 = arith.constant 0 : i32
    %dma_wait3A_69 = arith.constant 0 : i32
    %dma_wait3A_70 = arith.constant 0 : i32
    %dma_wait3A_71 = tpu.memref_slice %arg6[%dma_wait3A, %dma_wait3A_69, %dma_wait3A_70] : memref<8x50x64xf32, #tpu.memory_space<vmem>> -> memref<1x50x64xf32, #tpu.memory_space<vmem>>
    %dma_wait3A_72 = tpu.memref_squeeze %dma_wait3A_71 : memref<1x50x64xf32, #tpu.memory_space<vmem>> -> memref<50x64xf32, #tpu.memory_space<vmem>>
    %dma_wait3A_73 = arith.constant 0 : i32
    %dma_wait3A_74 = arith.constant 0 : i32
    %dma_wait3A_75 = tpu.memref_slice %arg4[%dma_wait3A_67, %dma_wait3A_73, %dma_wait3A_74] : memref<4096x50x64xf32, #tpu.memory_space<hbm>> -> memref<1x50x64xf32, #tpu.memory_space<hbm>>
    %dma_wait3A_76 = tpu.memref_squeeze %dma_wait3A_75 : memref<1x50x64xf32, #tpu.memory_space<hbm>> -> memref<50x64xf32, #tpu.memory_space<hbm>>
    %dma_wait3A_77 = tpu.memref_slice %arg8[%dma_wait3A_68] : memref<8x!tpu.dma_semaphore, #tpu.memory_space<semaphore_mem>> -> memref<1x!tpu.dma_semaphore, #tpu.memory_space<semaphore_mem>>
    %dma_wait3A_78 = tpu.memref_squeeze %dma_wait3A_77 : memref<1x!tpu.dma_semaphore, #tpu.memory_space<semaphore_mem>> -> memref<!tpu.dma_semaphore, #tpu.memory_space<semaphore_mem>>
    %dma_wait3A_79 = arith.constant 0 : i32
    %dma_wait3A_80 = arith.constant 0 : i32
    %dma_wait3A_81 = tpu.memref_slice %arg4[%dma_wait3A_67, %dma_wait3A_79, %dma_wait3A_80] : memref<4096x50x64xf32, #tpu.memory_space<hbm>> -> memref<1x50x64xf32, #tpu.memory_space<hbm>>
    %dma_wait3A_82 = tpu.memref_squeeze %dma_wait3A_81 : memref<1x50x64xf32, #tpu.memory_space<hbm>> -> memref<50x64xf32, #tpu.memory_space<hbm>>
    %dma_wait3A_83 = arith.constant 0 : i32
    %dma_wait3A_84 = arith.constant 0 : i32
    %dma_wait3A_85 = tpu.memref_slice %arg6[%dma_wait3A, %dma_wait3A_83, %dma_wait3A_84] : memref<8x50x64xf32, #tpu.memory_space<vmem>> -> memref<1x50x64xf32, #tpu.memory_space<vmem>>
    %dma_wait3A_86 = tpu.memref_squeeze %dma_wait3A_85 : memref<1x50x64xf32, #tpu.memory_space<vmem>> -> memref<50x64xf32, #tpu.memory_space<vmem>>
    tpu.wait_dma2 semaphore(%dma_wait3A_78 : memref<!tpu.dma_semaphore, #tpu.memory_space<semaphore_mem>>) src(%dma_wait3A_86 : memref<50x64xf32, #tpu.memory_space<vmem>>) dst(%dma_wait3A_82 : memref<50x64xf32, #tpu.memory_space<hbm>>)
    %dma_wait3A_87 = arith.constant 1 : i32
    %dma_wait3A_88 = arith.constant 0 : i32
    %dma_wait3A_89 = arith.constant 1 : i32
    %dma_wait3A_90 = arith.constant 0 : i32
    %dma_wait3A_91 = arith.constant 0 : i32
    %dma_wait3A_92 = tpu.memref_slice %arg6[%dma_wait3A_87, %dma_wait3A_90, %dma_wait3A_91] : memref<8x50x64xf32, #tpu.memory_space<vmem>> -> memref<1x50x64xf32, #tpu.memory_space<vmem>>
    %dma_wait3A_93 = tpu.memref_squeeze %dma_wait3A_92 : memref<1x50x64xf32, #tpu.memory_space<vmem>> -> memref<50x64xf32, #tpu.memory_space<vmem>>
    %dma_wait3A_94 = arith.constant 0 : i32
    %dma_wait3A_95 = arith.constant 0 : i32
    %dma_wait3A_96 = tpu.memref_slice %arg4[%dma_wait3A_88, %dma_wait3A_94, %dma_wait3A_95] : memref<4096x50x64xf32, #tpu.memory_space<hbm>> -> memref<1x50x64xf32, #tpu.memory_space<hbm>>
    %dma_wait3A_97 = tpu.memref_squeeze %dma_wait3A_96 : memref<1x50x64xf32, #tpu.memory_space<hbm>> -> memref<50x64xf32, #tpu.memory_space<hbm>>
    %dma_wait3A_98 = tpu.memref_slice %arg8[%dma_wait3A_89] : memref<8x!tpu.dma_semaphore, #tpu.memory_space<semaphore_mem>> -> memref<1x!tpu.dma_semaphore, #tpu.memory_space<semaphore_mem>>
    %dma_wait3A_99 = tpu.memref_squeeze %dma_wait3A_98 : memref<1x!tpu.dma_semaphore, #tpu.memory_space<semaphore_mem>> -> memref<!tpu.dma_semaphore, #tpu.memory_space<semaphore_mem>>
    %dma_wait3A_100 = arith.constant 0 : i32
    %dma_wait3A_101 = arith.constant 0 : i32
    %dma_wait3A_102 = tpu.memref_slice %arg4[%dma_wait3A_88, %dma_wait3A_100, %dma_wait3A_101] : memref<4096x50x64xf32, #tpu.memory_space<hbm>> -> memref<1x50x64xf32, #tpu.memory_space<hbm>>
    %dma_wait3A_103 = tpu.memref_squeeze %dma_wait3A_102 : memref<1x50x64xf32, #tpu.memory_space<hbm>> -> memref<50x64xf32, #tpu.memory_space<hbm>>
    %dma_wait3A_104 = arith.constant 0 : i32
    %dma_wait3A_105 = arith.constant 0 : i32
    %dma_wait3A_106 = tpu.memref_slice %arg6[%dma_wait3A_87, %dma_wait3A_104, %dma_wait3A_105] : memref<8x50x64xf32, #tpu.memory_space<vmem>> -> memref<1x50x64xf32, #tpu.memory_space<vmem>>
    %dma_wait3A_107 = tpu.memref_squeeze %dma_wait3A_106 : memref<1x50x64xf32, #tpu.memory_space<vmem>> -> memref<50x64xf32, #tpu.memory_space<vmem>>
    tpu.wait_dma2 semaphore(%dma_wait3A_99 : memref<!tpu.dma_semaphore, #tpu.memory_space<semaphore_mem>>) src(%dma_wait3A_107 : memref<50x64xf32, #tpu.memory_space<vmem>>) dst(%dma_wait3A_103 : memref<50x64xf32, #tpu.memory_space<hbm>>)
    %dma_wait3A_108 = arith.constant 2 : i32
    %dma_wait3A_109 = arith.constant 0 : i32
    %dma_wait3A_110 = arith.constant 2 : i32
    %dma_wait3A_111 = arith.constant 0 : i32
    %dma_wait3A_112 = arith.constant 0 : i32
    %dma_wait3A_113 = tpu.memref_slice %arg6[%dma_wait3A_108, %dma_wait3A_111, %dma_wait3A_112] : memref<8x50x64xf32, #tpu.memory_space<vmem>> -> memref<1x50x64xf32, #tpu.memory_space<vmem>>
    %dma_wait3A_114 = tpu.memref_squeeze %dma_wait3A_113 : memref<1x50x64xf32, #tpu.memory_space<vmem>> -> memref<50x64xf32, #tpu.memory_space<vmem>>
    %dma_wait3A_115 = arith.constant 0 : i32
    %dma_wait3A_116 = arith.constant 0 : i32
    %dma_wait3A_117 = tpu.memref_slice %arg4[%dma_wait3A_109, %dma_wait3A_115, %dma_wait3A_116] : memref<4096x50x64xf32, #tpu.memory_space<hbm>> -> memref<1x50x64xf32, #tpu.memory_space<hbm>>
    %dma_wait3A_118 = tpu.memref_squeeze %dma_wait3A_117 : memref<1x50x64xf32, #tpu.memory_space<hbm>> -> memref<50x64xf32, #tpu.memory_space<hbm>>
    %dma_wait3A_119 = tpu.memref_slice %arg8[%dma_wait3A_110] : memref<8x!tpu.dma_semaphore, #tpu.memory_space<semaphore_mem>> -> memref<1x!tpu.dma_semaphore, #tpu.memory_space<semaphore_mem>>
    %dma_wait3A_120 = tpu.memref_squeeze %dma_wait3A_119 : memref<1x!tpu.dma_semaphore, #tpu.memory_space<semaphore_mem>> -> memref<!tpu.dma_semaphore, #tpu.memory_space<semaphore_mem>>
    %dma_wait3A_121 = arith.constant 0 : i32
    %dma_wait3A_122 = arith.constant 0 : i32
    %dma_wait3A_123 = tpu.memref_slice %arg4[%dma_wait3A_109, %dma_wait3A_121, %dma_wait3A_122] : memref<4096x50x64xf32, #tpu.memory_space<hbm>> -> memref<1x50x64xf32, #tpu.memory_space<hbm>>
    %dma_wait3A_124 = tpu.memref_squeeze %dma_wait3A_123 : memref<1x50x64xf32, #tpu.memory_space<hbm>> -> memref<50x64xf32, #tpu.memory_space<hbm>>
    %dma_wait3A_125 = arith.constant 0 : i32
    %dma_wait3A_126 = arith.constant 0 : i32
    %dma_wait3A_127 = tpu.memref_slice %arg6[%dma_wait3A_108, %dma_wait3A_125, %dma_wait3A_126] : memref<8x50x64xf32, #tpu.memory_space<vmem>> -> memref<1x50x64xf32, #tpu.memory_space<vmem>>
    %dma_wait3A_128 = tpu.memref_squeeze %dma_wait3A_127 : memref<1x50x64xf32, #tpu.memory_space<vmem>> -> memref<50x64xf32, #tpu.memory_space<vmem>>
    tpu.wait_dma2 semaphore(%dma_wait3A_120 : memref<!tpu.dma_semaphore, #tpu.memory_space<semaphore_mem>>) src(%dma_wait3A_128 : memref<50x64xf32, #tpu.memory_space<vmem>>) dst(%dma_wait3A_124 : memref<50x64xf32, #tpu.memory_space<hbm>>)
    %dma_wait3A_129 = arith.constant 3 : i32
    %dma_wait3A_130 = arith.constant 0 : i32
    %dma_wait3A_131 = arith.constant 3 : i32
    %dma_wait3A_132 = arith.constant 0 : i32
    %dma_wait3A_133 = arith.constant 0 : i32
    %dma_wait3A_134 = tpu.memref_slice %arg6[%dma_wait3A_129, %dma_wait3A_132, %dma_wait3A_133] : memref<8x50x64xf32, #tpu.memory_space<vmem>> -> memref<1x50x64xf32, #tpu.memory_space<vmem>>
    %dma_wait3A_135 = tpu.memref_squeeze %dma_wait3A_134 : memref<1x50x64xf32, #tpu.memory_space<vmem>> -> memref<50x64xf32, #tpu.memory_space<vmem>>
    %dma_wait3A_136 = arith.constant 0 : i32
    %dma_wait3A_137 = arith.constant 0 : i32
    %dma_wait3A_138 = tpu.memref_slice %arg4[%dma_wait3A_130, %dma_wait3A_136, %dma_wait3A_137] : memref<4096x50x64xf32, #tpu.memory_space<hbm>> -> memref<1x50x64xf32, #tpu.memory_space<hbm>>
    %dma_wait3A_139 = tpu.memref_squeeze %dma_wait3A_138 : memref<1x50x64xf32, #tpu.memory_space<hbm>> -> memref<50x64xf32, #tpu.memory_space<hbm>>
    %dma_wait3A_140 = tpu.memref_slice %arg8[%dma_wait3A_131] : memref<8x!tpu.dma_semaphore, #tpu.memory_space<semaphore_mem>> -> memref<1x!tpu.dma_semaphore, #tpu.memory_space<semaphore_mem>>
    %dma_wait3A_141 = tpu.memref_squeeze %dma_wait3A_140 : memref<1x!tpu.dma_semaphore, #tpu.memory_space<semaphore_mem>> -> memref<!tpu.dma_semaphore, #tpu.memory_space<semaphore_mem>>
    %dma_wait3A_142 = arith.constant 0 : i32
    %dma_wait3A_143 = arith.constant 0 : i32
    %dma_wait3A_144 = tpu.memref_slice %arg4[%dma_wait3A_130, %dma_wait3A_142, %dma_wait3A_143] : memref<4096x50x64xf32, #tpu.memory_space<hbm>> -> memref<1x50x64xf32, #tpu.memory_space<hbm>>
    %dma_wait3A_145 = tpu.memref_squeeze %dma_wait3A_144 : memref<1x50x64xf32, #tpu.memory_space<hbm>> -> memref<50x64xf32, #tpu.memory_space<hbm>>
    %dma_wait3A_146 = arith.constant 0 : i32
    %dma_wait3A_147 = arith.constant 0 : i32
    %dma_wait3A_148 = tpu.memref_slice %arg6[%dma_wait3A_129, %dma_wait3A_146, %dma_wait3A_147] : memref<8x50x64xf32, #tpu.memory_space<vmem>> -> memref<1x50x64xf32, #tpu.memory_space<vmem>>
    %dma_wait3A_149 = tpu.memref_squeeze %dma_wait3A_148 : memref<1x50x64xf32, #tpu.memory_space<vmem>> -> memref<50x64xf32, #tpu.memory_space<vmem>>
    tpu.wait_dma2 semaphore(%dma_wait3A_141 : memref<!tpu.dma_semaphore, #tpu.memory_space<semaphore_mem>>) src(%dma_wait3A_149 : memref<50x64xf32, #tpu.memory_space<vmem>>) dst(%dma_wait3A_145 : memref<50x64xf32, #tpu.memory_space<hbm>>)
    %dma_wait3A_150 = arith.constant 4 : i32
    %dma_wait3A_151 = arith.constant 0 : i32
    %dma_wait3A_152 = arith.constant 4 : i32
    %dma_wait3A_153 = arith.constant 0 : i32
    %dma_wait3A_154 = arith.constant 0 : i32
    %dma_wait3A_155 = tpu.memref_slice %arg6[%dma_wait3A_150, %dma_wait3A_153, %dma_wait3A_154] : memref<8x50x64xf32, #tpu.memory_space<vmem>> -> memref<1x50x64xf32, #tpu.memory_space<vmem>>
    %dma_wait3A_156 = tpu.memref_squeeze %dma_wait3A_155 : memref<1x50x64xf32, #tpu.memory_space<vmem>> -> memref<50x64xf32, #tpu.memory_space<vmem>>
    %dma_wait3A_157 = arith.constant 0 : i32
    %dma_wait3A_158 = arith.constant 0 : i32
    %dma_wait3A_159 = tpu.memref_slice %arg4[%dma_wait3A_151, %dma_wait3A_157, %dma_wait3A_158] : memref<4096x50x64xf32, #tpu.memory_space<hbm>> -> memref<1x50x64xf32, #tpu.memory_space<hbm>>
    %dma_wait3A_160 = tpu.memref_squeeze %dma_wait3A_159 : memref<1x50x64xf32, #tpu.memory_space<hbm>> -> memref<50x64xf32, #tpu.memory_space<hbm>>
    %dma_wait3A_161 = tpu.memref_slice %arg8[%dma_wait3A_152] : memref<8x!tpu.dma_semaphore, #tpu.memory_space<semaphore_mem>> -> memref<1x!tpu.dma_semaphore, #tpu.memory_space<semaphore_mem>>
    %dma_wait3A_162 = tpu.memref_squeeze %dma_wait3A_161 : memref<1x!tpu.dma_semaphore, #tpu.memory_space<semaphore_mem>> -> memref<!tpu.dma_semaphore, #tpu.memory_space<semaphore_mem>>
    %dma_wait3A_163 = arith.constant 0 : i32
    %dma_wait3A_164 = arith.constant 0 : i32
    %dma_wait3A_165 = tpu.memref_slice %arg4[%dma_wait3A_151, %dma_wait3A_163, %dma_wait3A_164] : memref<4096x50x64xf32, #tpu.memory_space<hbm>> -> memref<1x50x64xf32, #tpu.memory_space<hbm>>
    %dma_wait3A_166 = tpu.memref_squeeze %dma_wait3A_165 : memref<1x50x64xf32, #tpu.memory_space<hbm>> -> memref<50x64xf32, #tpu.memory_space<hbm>>
    %dma_wait3A_167 = arith.constant 0 : i32
    %dma_wait3A_168 = arith.constant 0 : i32
    %dma_wait3A_169 = tpu.memref_slice %arg6[%dma_wait3A_150, %dma_wait3A_167, %dma_wait3A_168] : memref<8x50x64xf32, #tpu.memory_space<vmem>> -> memref<1x50x64xf32, #tpu.memory_space<vmem>>
    %dma_wait3A_170 = tpu.memref_squeeze %dma_wait3A_169 : memref<1x50x64xf32, #tpu.memory_space<vmem>> -> memref<50x64xf32, #tpu.memory_space<vmem>>
    tpu.wait_dma2 semaphore(%dma_wait3A_162 : memref<!tpu.dma_semaphore, #tpu.memory_space<semaphore_mem>>) src(%dma_wait3A_170 : memref<50x64xf32, #tpu.memory_space<vmem>>) dst(%dma_wait3A_166 : memref<50x64xf32, #tpu.memory_space<hbm>>)
    %dma_wait3A_171 = arith.constant 5 : i32
    %dma_wait3A_172 = arith.constant 0 : i32
    %dma_wait3A_173 = arith.constant 5 : i32
    %dma_wait3A_174 = arith.constant 0 : i32
    %dma_wait3A_175 = arith.constant 0 : i32
    %dma_wait3A_176 = tpu.memref_slice %arg6[%dma_wait3A_171, %dma_wait3A_174, %dma_wait3A_175] : memref<8x50x64xf32, #tpu.memory_space<vmem>> -> memref<1x50x64xf32, #tpu.memory_space<vmem>>
    %dma_wait3A_177 = tpu.memref_squeeze %dma_wait3A_176 : memref<1x50x64xf32, #tpu.memory_space<vmem>> -> memref<50x64xf32, #tpu.memory_space<vmem>>
    %dma_wait3A_178 = arith.constant 0 : i32
    %dma_wait3A_179 = arith.constant 0 : i32
    %dma_wait3A_180 = tpu.memref_slice %arg4[%dma_wait3A_172, %dma_wait3A_178, %dma_wait3A_179] : memref<4096x50x64xf32, #tpu.memory_space<hbm>> -> memref<1x50x64xf32, #tpu.memory_space<hbm>>
    %dma_wait3A_181 = tpu.memref_squeeze %dma_wait3A_180 : memref<1x50x64xf32, #tpu.memory_space<hbm>> -> memref<50x64xf32, #tpu.memory_space<hbm>>
    %dma_wait3A_182 = tpu.memref_slice %arg8[%dma_wait3A_173] : memref<8x!tpu.dma_semaphore, #tpu.memory_space<semaphore_mem>> -> memref<1x!tpu.dma_semaphore, #tpu.memory_space<semaphore_mem>>
    %dma_wait3A_183 = tpu.memref_squeeze %dma_wait3A_182 : memref<1x!tpu.dma_semaphore, #tpu.memory_space<semaphore_mem>> -> memref<!tpu.dma_semaphore, #tpu.memory_space<semaphore_mem>>
    %dma_wait3A_184 = arith.constant 0 : i32
    %dma_wait3A_185 = arith.constant 0 : i32
    %dma_wait3A_186 = tpu.memref_slice %arg4[%dma_wait3A_172, %dma_wait3A_184, %dma_wait3A_185] : memref<4096x50x64xf32, #tpu.memory_space<hbm>> -> memref<1x50x64xf32, #tpu.memory_space<hbm>>
    %dma_wait3A_187 = tpu.memref_squeeze %dma_wait3A_186 : memref<1x50x64xf32, #tpu.memory_space<hbm>> -> memref<50x64xf32, #tpu.memory_space<hbm>>
    %dma_wait3A_188 = arith.constant 0 : i32
    %dma_wait3A_189 = arith.constant 0 : i32
    %dma_wait3A_190 = tpu.memref_slice %arg6[%dma_wait3A_171, %dma_wait3A_188, %dma_wait3A_189] : memref<8x50x64xf32, #tpu.memory_space<vmem>> -> memref<1x50x64xf32, #tpu.memory_space<vmem>>
    %dma_wait3A_191 = tpu.memref_squeeze %dma_wait3A_190 : memref<1x50x64xf32, #tpu.memory_space<vmem>> -> memref<50x64xf32, #tpu.memory_space<vmem>>
    tpu.wait_dma2 semaphore(%dma_wait3A_183 : memref<!tpu.dma_semaphore, #tpu.memory_space<semaphore_mem>>) src(%dma_wait3A_191 : memref<50x64xf32, #tpu.memory_space<vmem>>) dst(%dma_wait3A_187 : memref<50x64xf32, #tpu.memory_space<hbm>>)
    %dma_wait3A_192 = arith.constant 6 : i32
    %dma_wait3A_193 = arith.constant 0 : i32
    %dma_wait3A_194 = arith.constant 6 : i32
    %dma_wait3A_195 = arith.constant 0 : i32
    %dma_wait3A_196 = arith.constant 0 : i32
    %dma_wait3A_197 = tpu.memref_slice %arg6[%dma_wait3A_192, %dma_wait3A_195, %dma_wait3A_196] : memref<8x50x64xf32, #tpu.memory_space<vmem>> -> memref<1x50x64xf32, #tpu.memory_space<vmem>>
    %dma_wait3A_198 = tpu.memref_squeeze %dma_wait3A_197 : memref<1x50x64xf32, #tpu.memory_space<vmem>> -> memref<50x64xf32, #tpu.memory_space<vmem>>
    %dma_wait3A_199 = arith.constant 0 : i32
    %dma_wait3A_200 = arith.constant 0 : i32
    %dma_wait3A_201 = tpu.memref_slice %arg4[%dma_wait3A_193, %dma_wait3A_199, %dma_wait3A_200] : memref<4096x50x64xf32, #tpu.memory_space<hbm>> -> memref<1x50x64xf32, #tpu.memory_space<hbm>>
    %dma_wait3A_202 = tpu.memref_squeeze %dma_wait3A_201 : memref<1x50x64xf32, #tpu.memory_space<hbm>> -> memref<50x64xf32, #tpu.memory_space<hbm>>
    %dma_wait3A_203 = tpu.memref_slice %arg8[%dma_wait3A_194] : memref<8x!tpu.dma_semaphore, #tpu.memory_space<semaphore_mem>> -> memref<1x!tpu.dma_semaphore, #tpu.memory_space<semaphore_mem>>
    %dma_wait3A_204 = tpu.memref_squeeze %dma_wait3A_203 : memref<1x!tpu.dma_semaphore, #tpu.memory_space<semaphore_mem>> -> memref<!tpu.dma_semaphore, #tpu.memory_space<semaphore_mem>>
    %dma_wait3A_205 = arith.constant 0 : i32
    %dma_wait3A_206 = arith.constant 0 : i32
    %dma_wait3A_207 = tpu.memref_slice %arg4[%dma_wait3A_193, %dma_wait3A_205, %dma_wait3A_206] : memref<4096x50x64xf32, #tpu.memory_space<hbm>> -> memref<1x50x64xf32, #tpu.memory_space<hbm>>
    %dma_wait3A_208 = tpu.memref_squeeze %dma_wait3A_207 : memref<1x50x64xf32, #tpu.memory_space<hbm>> -> memref<50x64xf32, #tpu.memory_space<hbm>>
    %dma_wait3A_209 = arith.constant 0 : i32
    %dma_wait3A_210 = arith.constant 0 : i32
    %dma_wait3A_211 = tpu.memref_slice %arg6[%dma_wait3A_192, %dma_wait3A_209, %dma_wait3A_210] : memref<8x50x64xf32, #tpu.memory_space<vmem>> -> memref<1x50x64xf32, #tpu.memory_space<vmem>>
    %dma_wait3A_212 = tpu.memref_squeeze %dma_wait3A_211 : memref<1x50x64xf32, #tpu.memory_space<vmem>> -> memref<50x64xf32, #tpu.memory_space<vmem>>
    tpu.wait_dma2 semaphore(%dma_wait3A_204 : memref<!tpu.dma_semaphore, #tpu.memory_space<semaphore_mem>>) src(%dma_wait3A_212 : memref<50x64xf32, #tpu.memory_space<vmem>>) dst(%dma_wait3A_208 : memref<50x64xf32, #tpu.memory_space<hbm>>)
    %dma_wait3A_213 = arith.constant 7 : i32
    %dma_wait3A_214 = arith.constant 0 : i32
    %dma_wait3A_215 = arith.constant 7 : i32
    %dma_wait3A_216 = arith.constant 0 : i32
    %dma_wait3A_217 = arith.constant 0 : i32
    %dma_wait3A_218 = tpu.memref_slice %arg6[%dma_wait3A_213, %dma_wait3A_216, %dma_wait3A_217] : memref<8x50x64xf32, #tpu.memory_space<vmem>> -> memref<1x50x64xf32, #tpu.memory_space<vmem>>
    %dma_wait3A_219 = tpu.memref_squeeze %dma_wait3A_218 : memref<1x50x64xf32, #tpu.memory_space<vmem>> -> memref<50x64xf32, #tpu.memory_space<vmem>>
    %dma_wait3A_220 = arith.constant 0 : i32
    %dma_wait3A_221 = arith.constant 0 : i32
    %dma_wait3A_222 = tpu.memref_slice %arg4[%dma_wait3A_214, %dma_wait3A_220, %dma_wait3A_221] : memref<4096x50x64xf32, #tpu.memory_space<hbm>> -> memref<1x50x64xf32, #tpu.memory_space<hbm>>
    %dma_wait3A_223 = tpu.memref_squeeze %dma_wait3A_222 : memref<1x50x64xf32, #tpu.memory_space<hbm>> -> memref<50x64xf32, #tpu.memory_space<hbm>>
    %dma_wait3A_224 = tpu.memref_slice %arg8[%dma_wait3A_215] : memref<8x!tpu.dma_semaphore, #tpu.memory_space<semaphore_mem>> -> memref<1x!tpu.dma_semaphore, #tpu.memory_space<semaphore_mem>>
    %dma_wait3A_225 = tpu.memref_squeeze %dma_wait3A_224 : memref<1x!tpu.dma_semaphore, #tpu.memory_space<semaphore_mem>> -> memref<!tpu.dma_semaphore, #tpu.memory_space<semaphore_mem>>
    %dma_wait3A_226 = arith.constant 0 : i32
    %dma_wait3A_227 = arith.constant 0 : i32
    %dma_wait3A_228 = tpu.memref_slice %arg4[%dma_wait3A_214, %dma_wait3A_226, %dma_wait3A_227] : memref<4096x50x64xf32, #tpu.memory_space<hbm>> -> memref<1x50x64xf32, #tpu.memory_space<hbm>>
    %dma_wait3A_229 = tpu.memref_squeeze %dma_wait3A_228 : memref<1x50x64xf32, #tpu.memory_space<hbm>> -> memref<50x64xf32, #tpu.memory_space<hbm>>
    %dma_wait3A_230 = arith.constant 0 : i32
    %dma_wait3A_231 = arith.constant 0 : i32
    %dma_wait3A_232 = tpu.memref_slice %arg6[%dma_wait3A_213, %dma_wait3A_230, %dma_wait3A_231] : memref<8x50x64xf32, #tpu.memory_space<vmem>> -> memref<1x50x64xf32, #tpu.memory_space<vmem>>
    %dma_wait3A_233 = tpu.memref_squeeze %dma_wait3A_232 : memref<1x50x64xf32, #tpu.memory_space<vmem>> -> memref<50x64xf32, #tpu.memory_space<vmem>>
    tpu.wait_dma2 semaphore(%dma_wait3A_225 : memref<!tpu.dma_semaphore, #tpu.memory_space<semaphore_mem>>) src(%dma_wait3A_233 : memref<50x64xf32, #tpu.memory_space<vmem>>) dst(%dma_wait3A_229 : memref<50x64xf32, #tpu.memory_space<hbm>>)
    return
  }
}

</mosaic_0001>

<sc_bundles>
// kernel: kernel.3.cloned.1.call-start
scs
__scs_entry_jumppad:
0x0: {  	(pc) =	sbr.rel $0x88, $3  }
0x1: {  	(tag) =	ssettag $0x0;
	lr =	simm.s32 $0x1  }
0x2: {  	[smem:$0x3F9E] =	sst lr;
	_ =	strace $0xD0000000  }
0x3: {  	_ = 	snop  }
0x4: {  	_ = 	snop  }
0x5: {  	_ = 	snop  }
0x6: {  	_ = 	snop  }
0x7: {  	_ = 	snop  }
__scs_overlays_trampoline_lowered:
0x8: {  	[smem:$0x3FAD] =	sst s0  }
0x9: {  	[smem:$0x3FAE] =	sst s1  }
0xa: {  	[smem:$0x3FAF] =	sst s2  }
0xb: {  	[smem:$0x3FB0] =	sst s3  }
0xc: {  	[smem:$0x3FB1] =	sst s4  }
0xd: {  	[smem:$0x3FB2] =	sst s5  }
0xe: {  	[smem:$0x3FB3] =	sst s6  }
0xf: {  	[smem:$0x3FB4] =	sst s7  }
0x10: {  	[smem:$0x3FB5] =	sst s8  }
0x11: {  	[smem:$0x3FB6] =	sst s9;
	s0 =	simm.s32 @!p0 $0x0  }
0x12: {  	s1 =	sld [smem:$0x3F9C];
	s0 =	simm.s32 @p0 $0x1  }
0x13: {  	[smem:$0x3FB7] =	sst s0;
	s0 =	simm.s32 @!p1 $0x0  }
0x14: {  	s2 =	sld [smem:$0x3F9B];
	s0 =	simm.s32 @p1 $0x1  }
0x15: {  	[smem:$0x3FB8] =	sst s0;
	s0 =	simm.s32 @!p2 $0x0  }
0x16: {  	s3 =	sld [smem:$0x3FDB];
	s0 =	simm.s32 @p2 $0x1  }
0x17: {  	s4 =	simm.s32 $0x1BF5;
	[smem:$0x3FBA] =	sst s0  }
0x18: {  	s0 =	sld [smem:$0x3F9D];
	_ =	swait.ge [sflag:s4], $0x0  }
0x19: {  	s7 =	sld [smem:$0x3F9E]  }
0x1a: {  	s8 =	sadd.s32 $0xFFFFE003, lr  }
0x1b: {  	s9 =	sadd.s32 $0xFFFFFEF7, lr;
	s5 =	simm.s32 $0xFFFFFFFF;
	p2 =	slt.u32 s8, $0xFFFFF086  }
0x1c: {  	p1 =	slt.u32 s9, $0xF7A;
	s5 =	simm.s32 @!p2 $0x0  }
0x1d: {  	s5 =	simm.s32 @p1 $0x1;
	p0 =	seq.s32 s7, s2  }
0x1e: {  	s7 =	smul.u32 @!p0 $0xF7A, s2;
	p2 =	seq.s32 @!p0 s5, $0x0  }
0x1f: {  	s9 =	smul.u32 $0xF7A, s1;
	s8 =	simm.s32 @!p0 $0x1BF5;
	p2 =	por !p2, p0  }
0x20: {  	[sflag:s8] =	ssyncset.s32 @!p0 $0xFFFFF086;
	s6 =	sadd.s32 @!p0 s3, s7;
	s7 =	simm.s32 @!p0 $0x108  }
0x21: {  	s3 =	sadd.s32 s3, s9;
	s6 =	sadd.s32 @!p0 $0x88, s6;
	s7 =	simm.s32 @p2 $0x1082  }
0x22: {  	[simem:s7], [sflag:s8] =	dma.local @!p0 [hbm:s6], $0xF7A  }
0x23: {  	s9 =	sor.u32 $0xD0000000, s2;
	s6 =	simm.s32 $0x108;
	_ =	swait.ge @!p0 [sflag:s8], $0x0  }
0x24: {  	s3 =	sadd.s32 $0x88, s3;
	s6 =	simm.s32 @!p1 $0x1082;
	[sflag:s4] =	ssyncset.s32 $0xFFFFF086  }
0x25: {  	[simem:s6], [sflag:s4] =	dma.local [hbm:s3], $0xF7A  }
0x26: {  	[smem:$0x3F9E] =	sst s1;
	(tag) =	ssettag s2;
	_ =	strace s9  }
0x27: {  	s1 =	sld [smem:$0x3FAE]  }
0x28: {  	s2 =	sld [smem:$0x3FAF]  }
0x29: {  	s4 =	sld [smem:$0x3FB1]  }
0x2a: {  	p0 =	seq.s32 s5, $0x0;
	s5 =	sld [smem:$0x3FB2]  }
0x2b: {  	s6 =	sld [smem:$0x3FB3]  }
0x2c: {  	s7 =	sld [smem:$0x3FB4]  }
0x2d: {  	s3 =	simm.s32 $0x108;
	s8 =	sld [smem:$0x3FB5]  }
0x2e: {  	s3 =	simm.s32 @!p0 $0x1082;
	s9 =	sld [smem:$0x3FB6]  }
0x2f: {  	lr =	sadd.s32 s0, s3;
	s0 =	sld [smem:$0x3FAD]  }
0x30: {  	s3 =	sld [smem:$0x3FB0]  }
0x31: {  	[smem:$0x3FB9] =	sst s10  }
0x32: {  	s10 =	sld [smem:$0x3FB7];
	_ =	sdelay $0x3  }
0x33: {  	p0 =	seq.s32 s10, $0x1;
	s10 =	sld [smem:$0x3FB9];
	_ =	sdelay $0x3  }
0x34: {  	[smem:$0x3FB9] =	sst s10  }
0x35: {  	s10 =	sld [smem:$0x3FB8];
	_ =	sdelay $0x3  }
0x36: {  	p1 =	seq.s32 s10, $0x1;
	s10 =	sld [smem:$0x3FB9];
	_ =	sdelay $0x3  }
0x37: {  	[smem:$0x3FB9] =	sst s10  }
0x38: {  	s10 =	sld [smem:$0x3FBA]  }
0x39: {  	_ = 	snop;
	(pc) =	sbr.ind lr, $3  }
0x3a: {  	_ = 	snop  }
0x3b: {  	_ = 	snop  }
0x3c: {  	p2 =	seq.s32 s10, $0x1;
	s10 =	sld [smem:$0x3FB9]  }
0x3d: {  	_ =	shalt  }
0x3e: {  	_ =	shalt  }
0x3f: {  	_ =	shalt  }
0x40: {  	_ =	shalt  }
0x41: {  	_ =	shalt  }
0x42: {  	_ =	shalt  }
0x43: {  	_ =	shalt  }
0x44: {  	_ =	shalt  }
0x45: {  	_ =	shalt  }
0x46: {  	_ =	shalt  }
0x47: {  	_ =	shalt  }
0x48: {  	_ =	shalt  }
0x49: {  	_ =	shalt  }
0x4a: {  	_ =	shalt  }
0x4b: {  	_ =	shalt  }
0x4c: {  	_ =	shalt  }
0x4d: {  	_ =	shalt  }
0x4e: {  	_ =	shalt  }
0x4f: {  	_ =	shalt  }
0x50: {  	_ =	shalt  }
0x51: {  	_ =	shalt  }
0x52: {  	_ =	shalt  }
0x53: {  	_ =	shalt  }
0x54: {  	_ =	shalt  }
0x55: {  	_ =	shalt  }
0x56: {  	_ =	shalt  }
0x57: {  	_ =	shalt  }
0x58: {  	_ =	shalt  }
0x59: {  	_ =	shalt  }
0x5a: {  	_ =	shalt  }
0x5b: {  	_ =	shalt  }
0x5c: {  	_ =	shalt  }
0x5d: {  	_ =	shalt  }
0x5e: {  	_ =	shalt  }
0x5f: {  	_ =	shalt  }
0x60: {  	_ =	shalt  }
0x61: {  	_ =	shalt  }
0x62: {  	_ =	shalt  }
0x63: {  	_ =	shalt  }
0x64: {  	_ =	shalt  }
0x65: {  	_ =	shalt  }
0x66: {  	_ =	shalt  }
0x67: {  	_ =	shalt  }
0x68: {  	_ =	shalt  }
0x69: {  	_ =	shalt  }
0x6a: {  	_ =	shalt  }
0x6b: {  	_ =	shalt  }
0x6c: {  	_ =	shalt  }
0x6d: {  	_ =	shalt  }
0x6e: {  	_ =	shalt  }
0x6f: {  	_ =	shalt  }
0x70: {  	_ =	shalt  }
0x71: {  	_ =	shalt  }
0x72: {  	_ =	shalt  }
0x73: {  	_ =	shalt  }
0x74: {  	_ =	shalt  }
0x75: {  	_ =	shalt  }
0x76: {  	_ =	shalt  }
0x77: {  	_ =	shalt  }
0x78: {  	_ =	shalt  }
0x79: {  	_ =	shalt  }
0x7a: {  	_ =	shalt  }
0x7b: {  	_ =	shalt  }
0x7c: {  	_ =	shalt  }
0x7d: {  	_ =	shalt  }
0x7e: {  	_ =	shalt  }
0x7f: {  	_ =	shalt  }
0x80: {  	_ =	shalt  }
0x81: {  	_ =	shalt  }
0x82: {  	_ =	shalt  }
0x83: {  	_ =	shalt  }
0x84: {  	_ =	shalt  }
0x85: {  	_ =	shalt  }
0x86: {  	_ =	shalt  }
0x87: {  	_ =	shalt  }
.Lfunc_end0:
.L_simem_size_0:
called_computation.1_lowered:
.L_overlay_start_0:
0x88: {  	s2 =	sld [smem:$0x3FD9]  }
0x89: {  	s3 =	sld [smem:$0x3FFE];
	_ =	sdelay $0x1  }
0x8a: {  	s1 =	srdreg.scid  }
0x8b: {  	s0 =	sand.u32 $0x1, s1  }
0x8c: {  	s14 =	sshll.u32 s0, $0xA;
	s2 =	sadd.s32 s3, s2  }
0x8d: {  	s2 =	sadd.s32 s2, s14  }
0x8e: {  	[smem:$0x3FC5] =	sst s2  }
0x8f: {  	_ = 	snop  }
0x90: {  	s2 =	sld [smem:$0x3FD0];
	_ =	sdelay $0x2  }
0x91: {  	s15 =	simm.s32 $0xA;
	s4 =	simm.s32 $0x10  }
0x92: {  	[smem:s4], [sflag:s15] =	dma.local [hbm:s2], $0x1  }
0x93: {  	_ =	swait.eq [sflag:s15], $0x1  }
0x94: {  	[sflag:s15] =	ssyncset.done $0x0  }
0x95: {  	s16 =	sld [smem:$0x10];
	[sflag:s15] =	ssyncadd.s32 $0xFFFFFFFF  }
0x96: {  	s17 =	sld [smem:$0x11];
	(tm) =	ssettm $0x1  }
0x97: {  	s18 =	sld [smem:$0x3FFB];
	_ =	sdelay $0x3  }
0x98: {  	_ =	strace s18  }
0x99: {  	s4 =	sld [smem:$0x3FFC];
	_ =	sdelay $0x3  }
0x9a: {  	_ =	strace s4  }
0x9b: {  	s4 =	sld [smem:$0x3FFD];
	_ =	sdelay $0x3  }
0x9c: {  	_ =	strace s4  }
0x9d: {  	_ =	strace $0x8FFFFFFF  }
0x9e: {  	s19 =	sld [smem:$0x3FDB];
	_ =	sdelay $0x1  }
0x9f: {  	s5 =	simm.s32 $_scs_section_size  }
0xa0: {  	s6 =	simm.s32 $_size__tile_overlayer_lowered;
	s7 =	simm.s32 $_tile_overlayer_lowered  }
0xa1: {  	s22 =	simm.s32 $0x1BFF;
	s21 =	sshll.u32 s7, $0x1;
	s4 =	sadd.s32 s5, s19  }
0xa2: {  	s8 =	simm.s32 $0x0;
	s20 =	sshll.u32 s6, $0x1;
	s6 =	sadd.s32 s21, s4  }
0xa3: {  	[timem:s8], [sflag:s22] =	dma.local [hbm:s6], s20  }
0xa4: {  	_ =	swait.ge [sflag:s22], s20  }
0xa5: {  	s5 =	ssub.s32 $0x0, s20;
	[sflag:s22] =	ssyncset.done $0x0  }
0xa6: {  	[sflag:s22] =	ssyncadd.s32 s5;
	_ =	sdelay $0x1  }
0xa7: {  	s23 =	simm.s32 $0x1B8B  }
0xa8: {  	_ =	swait.ge [sflag:s23], $0x1  }
0xa9: {  	[sflag:s23] =	ssyncset.done $0x0  }
0xaa: {  	s25 =	simm.s32 $0x1B8E;
	s24 =	sld [smem:$0x3FFE];
	[sflag:s23] =	ssyncadd.s32 $0xFFFFFFFF  }
0xab: {  	s26 =	simm.s32 $execute0_lowered;
	[smem:$0x3FD2] =	sst s25  }
0xac: {  	s6 =	sshll.u32 s26, $0x1;
	_ =	strace $0x80000046;
	[dreg:$0x1] =	wrdreg $0xFFFFFFFF  }
0xad: {  	s28 =	simm.s32 $_size_execute0_lowered;
	s4 =	sadd.s32 s4, s6;
	[dreg:$0x0] =	wrdreg $0x0  }
0xae: {  	s6 =	sshll.u32 s28, $0x1;
	[dreg:$0x2] =	wrdreg s4  }
0xaf: {  	[dreg:$0x3] =	wrdreg s6  }
0xb0: {  	[dreg:$0x4] =	wrdreg $0xC0  }
0xb1: {  	_ =	task [dreg:s8], $0x5FFFF  }
0xb2: {  	[dreg:$0x1] =	wrdreg $0xFFFFFFFF  }
0xb3: {  	[dreg:$0x0] =	wrdreg $0x60  }
0xb4: {  	[dreg:$0x2] =	wrdreg s17  }
0xb5: {  	[dreg:$0x3] =	wrdreg s24  }
0xb6: {  	[dreg:$0x4] =	wrdreg s16  }
0xb7: {  	[dreg:$0x5] =	wrdreg $0x9  }
0xb8: {  	_ =	task.clear_ibuf [dreg:s8], $0x6FFFF;
	_ =	strace $0x90000046  }
0xb9: {  	s29 =	simm.s32 $0x9;
	_ =	strace $0x80000048  }
0xba: {  	_ =	swait.ge [sflag:s29], $0x1  }
0xbb: {  	[sflag:s29] =	ssyncadd.s32 $0xFFFFFFFF  }
0xbc: {  	_ =	strace $0x90000048  }
0xbd: {  	_ =	sfence  }
0xbe: {  	s30 =	sld [smem:$0x0];
	_ =	sdelay $0x2  }
0xbf: {  	s31 =	sshll.u32 s1, $0xD;
	s1 =	sshrl.u32 s1, $0x2  }
0xc0: {  	s3 =	sand.u32 $0x4000, s31;
	s1 =	sadd.s32 s1, s30  }
0xc1: {  	s0 =	sor.u32 s3, s0;
	s1 =	sshll.u32 s1, $0x11  }
0xc2: {  	s0 =	sor.u32 s1, s0  }
0xc3: {  	s0 =	sadd.s32 $0x8F2B, s0  }
0xc4: {  	[sflag:s0] =	ssyncadd.remote.s32 $0x1  }
0xc5: {  	_ =	sfence.sel $0xFFFF  }
0xc6: {  	[dreg:$0x0] =	wrdreg $0xFFFFFFFF;
	(pc) =	sbr.abs _section_cstart, $3  }
0xc7: {  	[dreg:$0x1] =	wrdreg $0xFFFFFFFF  }
0xc8: {  	_ =	task.clear_ibuf [dreg:s8], $0x2FFFF;
	_ =	strace $0x9FFFFFFF  }
0xc9: {  	(tm) =	ssettm $0x7FFFFFFF  }
tec
execute0_lowered:
.L_overlay_start_1:
0x0: {  	(tag) =	ssettag $0x1  }
0x1: {  	s4 =	rddreg [dreg:$0x0]  }
0x2: {  	s1 =	srdreg.scid;
	s3 =	rddreg [dreg:$0x1]  }
0x3: {  	s0 =	stileid.u32;
	s6 =	rddreg [dreg:$0x2];
	s11 =	simm.s32 $0x2880  }
0x4: {  	s12 =	simm.s32 $0x70;
	s13 =	simm.s32 $0x3500;
	s14 =	simm.s32 $0xA8  }
0x5: {  	s15 =	simm.s32 $0x4180;
	s16 =	simm.s32 $0x9;
	s17 =	simm.s32 $0xA  }
0x6: {  	s18 =	simm.s32 $0xB;
	s19 =	simm.s32 $0xC;
	s20 =	simm.s32 $0xD  }
0x7: {  	s21 =	simm.s32 $0xE;
	s22 =	simm.s32 $0xF;
	s23 =	simm.s32 $0x10  }
0x8: {  	s24 =	simm.s32 $0x0;
	s1 =	sand.u32 $0x1, s1;
	s2 =	sshll.u32 s0, $0x8  }
0x9: {  	s8 =	smul.u32 $0x19000, s0;
	s3 =	sadd.s32 $0xF43000, s3;
	s5 =	sshll.u32 s1, $0x7  }
0xa: {  	s7 =	ssub.s32 $0x2, s1;
	s1 =	smul.u32 $0xC800, s1;
	s5 =	sor.u32 s5, s2  }
0xb: {  	s2 =	simm.s32 $0x0;
	s9 =	sshrl.u32 s7, $0x1;
	s6 =	sadd.s32 s8, s6  }
0xc: {  	s8 =	simm.s32 $0x32;
	s5 =	smul.u32 $0x7, s5;
	[smem:$0x7FF] =	sst s2  }
0xd: {  	s7 =	ssub.s32 s7, s9;
	s6 =	sadd.s32 s1, s6;
	_ =	strace $0x80000047  }
0xe: {  	s4 =	sadd.s32 s4, s5;
	s5 =	smax.u32 s7, $0x1;
	s7 =	simm.s32 $0x11  }
.LBB2_1:
0xf: {  	[tilespmem:s2], [sflag:$0x11] =	stream.linear.gather [hbm4b:s4+s2], $0x1C00, $0x38;
	[tilespmem:$0x8000] =	vst v63  }
0x10: {  	_ =	swait.ge [sflag:s7], $0x1C00  }
0x11: {  	[sflag:s7] =	ssyncset.done $0x0  }
0x12: {  	s0 =	simm.s32 $0x1C00;
	p0 =	por $0x0, $0x0;
	[sflag:s7] =	ssyncadd.s32 $0xFFFFE400  }
0x13: {  	[tilespmem:s0], [sflag:$0x1] =	stream.indirect.gather [hbm4b:s3+s8], $0x40, s2, s8, $0xb8;
	[tilespmem:$0x8000] =	vst v63  }
0x14: {  	s9 =	simm.s32 $0x38;
	s1 =	simm.s32 $0x4;
	p1 =	por @!p0 $0x1, $0x1  }
0x15: {  	[tilespmem:s11], [sflag:$0x2] =	stream.indirect.gather [hbm4b:s3+s8], $0x40, s9, s8, $0xb8;
	[tilespmem:$0x8000] =	vst v63  }
0x16: {  	s1 =	sand.u32 @!p0 $0x7, s1;
	p1 =	por p1, p0  }
0x17: {  	[tilespmem:s13], [sflag:$0x3] =	stream.indirect.gather [hbm4b:s3+s8], $0x40, s12, s8, $0xb8;
	[tilespmem:$0x8000] =	vst v63  }
0x18: {  	s29 =	sadd.s32 @!p1 $0x9, s1  }
0x19: {  	[tilespmem:s15], [sflag:$0x4] =	stream.indirect.gather [hbm4b:s3+s8], $0x40, s14, s8, $0xb8;
	[tilespmem:$0x8000] =	vst v63  }
0x1a: {  	s28 =	smul.u32 @!p0 $0x3200, s1;
	_ =	swait.ge @!p1 [sflag:s29], $0xC80  }
0x1b: {  	s25 =	simm.s32 $0xE0;
	s31 =	simm.s32 @!p0 $0x32;
	[sflag:s29] =	ssyncset.done @!p1 $0x0  }
0x1c: {  	s28 =	sshrl.u32 @!p0 s28, $0x2;
	[sflag:s29] =	ssyncadd.s32 @!p1 $0xFFFFF380;
	s29 =	sand.u32 $0x7, s2  }
0x1d: {  	s1 =	sadd.s32 @!p0 $0x1, s1;
	s28 =	sadd.s32 @!p0 $0x1C00, s28;
	s10 =	smul.u32 $0x3200, s29  }
0x1e: {  	[tilespmem:s28], [sflag:s1] =	stream.indirect.gather @!p0 [hbm4b:s3+s31], $0x40, s25, s31, $0xb8;
	[tilespmem:$0x8000] =	vst v63  }
0x1f: {  	s26 =	simm.s32 $0x1;
	s30 =	sadd.s32 $0x1, s29;
	s28 =	sadd.s32 $0x190, s6  }
0x20: {  	s31 =	sadd.s32 $0x9, s29;
	_ =	swait.ge [sflag:s30], $0xC80;
	s0 =	sshrl.u32 s10, $0x2  }
0x21: {  	s29 =	smov.u32 s6;
	[sflag:s30] =	ssyncset.done $0x0;
	s1 =	sadd.s32 $0x1C00, s0  }
.LBB2_2:
0x22: {  	[sflag:s30] =	ssyncadd.s32 $0xFFFFF380  }
0x23: {  	s25 =	sadd.s32 $0x38, s25;
	s0 =	smov.u32 s26;
	s26 =	sadd.s32 $0x1, s26  }
0x24: {  	[hbm4b:s29+s2] =	stream.linear.scatter [tilespmem:s1], [sflag:s31], $0xC80, $0x38;
	[tilespmem:$0x8000] =	vst v63  }
0x25: {  	s1 =	sadd.s32 $0x4, s0;
	p1 =	sgt.u32 s0, $0x7B;
	p0 =	sne.s32 s26, $0x80  }
0x26: {  	s29 =	smov.u32 s28;
	s1 =	sand.u32 @!p1 $0x7, s1;
	p2 =	slt.u32 @!p1 s0, $0x4  }
0x27: {  	p2 =	por p2, p1;
	s30 =	smul.u32 @!p1 $0x3200, s1;
	s31 =	sadd.s32 @!p1 $0x1, s1  }
0x28: {  	s1 =	sadd.s32 @!p2 $0x9, s1  }
0x29: {  	s30 =	sshrl.u32 @!p1 s30, $0x2;
	_ =	swait.ge @!p2 [sflag:s1], $0xC80  }
0x2a: {  	s0 =	sand.u32 $0x7, s0;
	s9 =	sadd.s32 @!p1 $0x1C00, s30;
	[sflag:s1] =	ssyncset.done @!p2 $0x0  }
.Ltmp0:
0x2b: {  	[sflag:s1] =	ssyncadd.s32 @!p2 $0xFFFFF380;
	s1 =	simm.s32 @!p1 $0x32;
	(pc) =	sbr.rel @p0 .LBB2_2-.Ltmp0, $4  }
0x2c: {  	s10 =	smul.u32 $0x3200, s0;
	s30 =	sadd.s32 $0x1, s0  }
0x2d: {  	[tilespmem:s9], [sflag:s31] =	stream.indirect.gather @!p1 [hbm4b:s3+s1], $0x40, s25, s1, $0xb8;
	[tilespmem:$0x8000] =	vst v63  }
0x2e: {  	s28 =	sadd.s32 $0x190, s28;
	s1 =	sshrl.u32 s10, $0x2;
	_ =	swait.ge [sflag:s30], $0xC80  }
0x2f: {  	s31 =	sadd.s32 $0x9, s0;
	s1 =	sadd.s32 $0x1C00, s1;
	[sflag:s30] =	ssyncset.done $0x0  }
0x30: {  	[sflag:s30] =	ssyncadd.s32 $0xFFFFF380  }
0x31: {  	[hbm4b:s29+s2] =	stream.linear.scatter [tilespmem:s1], [sflag:s31], $0xC80, $0x38;
	[tilespmem:$0x8000] =	vst v63  }
0x32: {  	_ =	swait.ge [sflag:s16], $0xC80  }
0x33: {  	[sflag:s16] =	ssyncset.done $0x0  }
0x34: {  	[sflag:s16] =	ssyncadd.s32 $0xFFFFF380  }
0x35: {  	_ =	swait.ge [sflag:s17], $0xC80  }
0x36: {  	[sflag:s17] =	ssyncset.done $0x0  }
0x37: {  	[sflag:s17] =	ssyncadd.s32 $0xFFFFF380  }
0x38: {  	_ =	swait.ge [sflag:s18], $0xC80  }
0x39: {  	[sflag:s18] =	ssyncset.done $0x0  }
0x3a: {  	[sflag:s18] =	ssyncadd.s32 $0xFFFFF380  }
0x3b: {  	_ =	swait.ge [sflag:s19], $0xC80  }
0x3c: {  	[sflag:s19] =	ssyncset.done $0x0  }
0x3d: {  	[sflag:s19] =	ssyncadd.s32 $0xFFFFF380  }
0x3e: {  	_ =	swait.ge [sflag:s20], $0xC80  }
0x3f: {  	[sflag:s20] =	ssyncset.done $0x0  }
0x40: {  	[sflag:s20] =	ssyncadd.s32 $0xFFFFF380  }
0x41: {  	_ =	swait.ge [sflag:s21], $0xC80  }
0x42: {  	[sflag:s21] =	ssyncset.done $0x0  }
0x43: {  	s24 =	sadd.s32 $0x1, s24;
	[sflag:s21] =	ssyncadd.s32 $0xFFFFF380  }
0x44: {  	p0 =	sne.s32 s24, s5;
	_ =	swait.ge [sflag:s22], $0xC80  }
.Ltmp1:
0x45: {  	[sflag:s22] =	ssyncset.done $0x0;
	(pc) =	sbr.rel @p0 .LBB2_1-.Ltmp1, $4  }
0x46: {  	[sflag:s22] =	ssyncadd.s32 $0xFFFFF380  }
0x47: {  	_ =	swait.ge [sflag:s23], $0xC80  }
0x48: {  	[sflag:s23] =	ssyncset.done $0x0  }
0x49: {  	[sflag:s23] =	ssyncadd.s32 $0xFFFFF380  }
0x4a: {  	_ =	sfence.sel $0x180000  }
0x4b: {  	[bflag:$0x0] =	sbarrier.arrive $0xFFFF  }
0x4c: {  	_ =	strace $0x90000047  }
0x4d: {  	s0 =	stileid.u32;
	[bflag:$0x2] =	sbarrier.arrive $0xFFFF  }
0x4e: {  	p0 =	sne.s32 s0, $0x0;
	s0 =	rddreg [dreg:$0x3]  }
0x4f: {  	s0 =	sadd.s32 @!p0 $0x100000, s0  }
0x50: {  	[sflag:s0] =	ssyncadd.tile.s32 @!p0 $0x1;
	_ =	shalt  }
.Lfunc_end2:
_tile_overlayer_lowered:
.L_overlay_start_2:
0x51: {  	(tag) =	ssettag $0x2  }
0x52: {  	s0 =	rddreg [dreg:$0x0];
	s2 =	stileid.u32  }
0x53: {  	s1 =	rddreg [dreg:$0x1];
	p0 =	sne.s32 s2, $0x0  }
0x54: {  	s3 =	rddreg [dreg:$0x2];
	[bflag:$0x3] =	sbarrier.arrive $0xFFFF;
	s2 =	simm.s32 @!p0 $0x1C11  }
0x55: {  	[timem:s3], [sflag:s2] =	dma.local @!p0 [hbm:s0], s1  }
0x56: {  	s0 =	simm.s32 @!p0 $0x11  }
0x57: {  	_ =	swait.ge @!p0 [sflag:s0], s1  }
0x58: {  	s1 =	ssub.s32 @!p0 $0x0, s1;
	[sflag:s0] =	ssyncset.done @!p0 $0x0  }
0x59: {  	[sflag:s0] =	ssyncadd.s32 @!p0 s1  }
0x5a: {  	[bflag:$0x3] =	sbarrier.arrive $0xFFFF  }
0x5b: {  	_ =	shalt  }

// kernel: sparse-core-data-format-call.cloned.1.call-start
scs
called_computation_lowered:
.L_overlay_start_0:
0x0: {  	s2 =	sld [smem:$0x3FD9]  }
0x1: {  	s3 =	sld [smem:$0x3FFE];
	_ =	sdelay $0x1  }
0x2: {  	s1 =	srdreg.scid  }
0x3: {  	s0 =	sand.u32 $0x1, s1  }
0x4: {  	s15 =	sshll.u32 s0, $0xA;
	s2 =	sadd.s32 s3, s2  }
0x5: {  	s2 =	sadd.s32 s2, s15  }
0x6: {  	[smem:$0x3FC5] =	sst s2  }
0x7: {  	_ = 	snop  }
0x8: {  	s2 =	sld [smem:$0x3FD0];
	_ =	sdelay $0x2  }
0x9: {  	s16 =	simm.s32 $0xA;
	s4 =	simm.s32 $0x10  }
0xa: {  	[smem:s4], [sflag:s16] =	dma.local [hbm:s2], $0x1  }
0xb: {  	_ =	swait.eq [sflag:s16], $0x1  }
0xc: {  	[sflag:s16] =	ssyncset.done $0x0  }
0xd: {  	[sflag:s16] =	ssyncadd.s32 $0xFFFFFFFF  }
0xe: {  	s17 =	sld [smem:$0x10];
	(tm) =	ssettm $0x1  }
0xf: {  	s18 =	sld [smem:$0x3FFB];
	_ =	sdelay $0x3  }
0x10: {  	_ =	strace s18  }
0x11: {  	s3 =	sld [smem:$0x3FFC];
	_ =	sdelay $0x3  }
0x12: {  	_ =	strace s3  }
0x13: {  	s3 =	sld [smem:$0x3FFD];
	_ =	sdelay $0x3  }
0x14: {  	_ =	strace s3  }
0x15: {  	_ =	strace $0x8FFFFFFF  }
0x16: {  	s19 =	sld [smem:$0x3FDB];
	_ =	sdelay $0x1  }
0x17: {  	s20 =	simm.s32 $_scs_section_size  }
0x18: {  	s5 =	simm.s32 $_size__tile_overlayer_lowered;
	s6 =	simm.s32 $_tile_overlayer_lowered  }
0x19: {  	s23 =	simm.s32 $0x1BFF;
	s22 =	sshll.u32 s6, $0x1;
	s3 =	sadd.s32 s20, s19  }
0x1a: {  	s7 =	simm.s32 $0x0;
	s21 =	sshll.u32 s5, $0x1;
	s5 =	sadd.s32 s22, s3  }
0x1b: {  	[timem:s7], [sflag:s23] =	dma.local [hbm:s5], s21  }
0x1c: {  	_ =	swait.ge [sflag:s23], s21  }
0x1d: {  	s4 =	ssub.s32 $0x0, s21;
	[sflag:s23] =	ssyncset.done $0x0  }
0x1e: {  	[sflag:s23] =	ssyncadd.s32 s4;
	_ =	sdelay $0x1  }
0x1f: {  	s24 =	simm.s32 $0x1B8B  }
0x20: {  	_ =	swait.ge [sflag:s24], $0x1  }
0x21: {  	[sflag:s24] =	ssyncset.done $0x0  }
0x22: {  	s26 =	simm.s32 $0x1B8E;
	s25 =	sld [smem:$0x3FFE];
	[sflag:s24] =	ssyncadd.s32 $0xFFFFFFFF  }
0x23: {  	s27 =	simm.s32 $execute0_lowered;
	[smem:$0x3FD2] =	sst s26  }
0x24: {  	s5 =	sshll.u32 s27, $0x1;
	_ =	strace $0x80000049;
	[dreg:$0x1] =	wrdreg $0xFFFFFFFF  }
0x25: {  	s28 =	simm.s32 $_size_execute0_lowered;
	s3 =	sadd.s32 s3, s5;
	[dreg:$0x0] =	wrdreg $0x0  }
0x26: {  	s5 =	sshll.u32 s28, $0x1;
	[dreg:$0x2] =	wrdreg s3  }
0x27: {  	[dreg:$0x3] =	wrdreg s5  }
0x28: {  	[dreg:$0x4] =	wrdreg $0xC0  }
0x29: {  	_ =	task [dreg:s7], $0x5FFFF  }
0x2a: {  	[dreg:$0x1] =	wrdreg $0xFFFFFFFF  }
0x2b: {  	[dreg:$0x0] =	wrdreg $0x60  }
0x2c: {  	[dreg:$0x2] =	wrdreg s25  }
0x2d: {  	[dreg:$0x3] =	wrdreg s17  }
0x2e: {  	[dreg:$0x4] =	wrdreg $0x9  }
0x2f: {  	_ =	task.clear_ibuf [dreg:s7], $0x5FFFF;
	_ =	strace $0x90000049  }
0x30: {  	s29 =	simm.s32 $0x9;
	_ =	strace $0x8000004B  }
0x31: {  	_ =	swait.ge [sflag:s29], $0x1  }
0x32: {  	[sflag:s29] =	ssyncadd.s32 $0xFFFFFFFF  }
0x33: {  	_ =	strace $0x9000004B  }
0x34: {  	_ =	sfence  }
0x35: {  	s30 =	sld [smem:$0x0];
	_ =	sdelay $0x2  }
0x36: {  	s31 =	sshll.u32 s1, $0xD;
	s1 =	sshrl.u32 s1, $0x2  }
0x37: {  	s3 =	sand.u32 $0x4000, s31;
	s1 =	sadd.s32 s1, s30  }
0x38: {  	s0 =	sor.u32 s3, s0;
	s1 =	sshll.u32 s1, $0x11  }
0x39: {  	s0 =	sor.u32 s1, s0  }
0x3a: {  	s0 =	sadd.s32 $0x8F2B, s0  }
0x3b: {  	[sflag:s0] =	ssyncadd.remote.s32 $0x1  }
0x3c: {  	_ =	sfence.sel $0xFFFF  }
0x3d: {  	[dreg:$0x0] =	wrdreg $0xFFFFFFFF;
	(pc) =	sbr.abs _section_cstart, $3  }
0x3e: {  	[dreg:$0x1] =	wrdreg $0xFFFFFFFF  }
0x3f: {  	_ =	task.clear_ibuf [dreg:s7], $0x2FFFF;
	_ =	strace $0x9FFFFFFF  }
0x40: {  	(tm) =	ssettm $0x7FFFFFFF  }
0x41: {  	_ =	shalt  }
tec
execute0_lowered:
.L_overlay_start_1:
0x0: {  	(tag) =	ssettag $0x1  }
0x1: {  	s0 =	srdreg.scid  }
0x2: {  	s1 =	sshll.u32 s0, $0x4  }
0x3: {  	s0 =	stileid.u32;
	s1 =	sand.u32 $0x10, s1  }
0x4: {  	s1 =	sor.u32 s0, s1  }
0x5: {  	s6 =	rddreg [dreg:$0x0];
	s4 =	simm.s32 $0x1;
	s2 =	sshll.u32 s1, $0x7  }
0x6: {  	s7 =	simm.s32 $0x2;
	s12 =	simm.s32 $0x0;
	s1 =	ssub.s32 $0x1000, s2  }
0x7: {  	s8 =	simm.s32 $0x8000;
	s13 =	simm.s32 $0x0;
	s3 =	sand.u32 $0xF80, s1  }
0x8: {  	s9 =	simm.s32 $0x0;
	s5 =	sshrl.u32 s1, $0xC;
	p0 =	sne.s32 s3, $0x0  }
.Ltmp0:
0x9: {  	s1 =	rddreg [dreg:$0x2];
	s4 =	simm.s32 @!p0 $0x0;
	(pc) =	sbr.rel .LBB1_1-.Ltmp0, $4  }
0xa: {  	s11 =	simm.s32 $0x0;
	s3 =	rddreg [dreg:$0x1];
	s5 =	sadd.s32 s4, s5  }
0xb: {  	_ =	strace $0x8000004A;
	s4 =	simm.s32 $0x1;
	s5 =	smul.u32 $0x32, s5  }
0xc: {  	s6 =	sadd.s32 $0xC00, s6;
	s10 =	smov.u32 s2;
	[sflag:s4] =	ssyncpa.u1 $0x0  }
0xd: {  	p0 =	por $0x0, $0x0;
	[sflag:s7] =	ssyncpa.u1 $0x0;
	s7 =	sor.u32 $0x1, s5  }
.LBB1_4:
0xe: {  	s16 =	sshll.u32 s13, $0x3;
	s17 =	sand.u32 $0x78, s13  }
0xf: {  	s30 =	sand.u32 $0x7E00, s13;
	s12 =	sshll.u32 s12, $0xF;
	s16 =	sand.u32 $0xC00, s16  }
0x10: {  	[tilespmem:s15+$0x810 ss:$0x81] =	vst.msk $0xffff, v2;
	s31 =	sand.u32 $0x7, s13;
	s16 =	sor.u32 s17, s16;
	s17 =	sadd.s32 s3, s30  }
0x11: {  	[tilespmem:s15+$0x1020 ss:$0x81] =	vst.msk $0xffff, v0;
	s13 =	sshll.u32 s31, $0x12;
	s12 =	sadd.s32 s12, s17;
	s16 =	sshrl.u32 s16, $0x3  }
0x12: {  	[tilespmem:s15+$0x0 ss:$0x81] =	vst.msk $0xffff, v1;
	s13 =	sor.u32 $0x400, s13;
	s12 =	sadd.s32 s16, s12  }
0x13: {  	[hbm4b:s12+s13] =	stream.strided.scatter [tilespmem:s14], [sflag:$0x2], $0x2000, s8, s13, $0x20;
	[tilespmem:$0x8080] =	vst v63  }
.LBB1_5:
0x14: {  	s14 =	sadd.s32 $0x1, s9  }
0x15: {  	s12 =	sadd.s32 $0x1000, s10;
	s16 =	smov.u32 s10;
	p2 =	sgt.s32 s14, $0x31  }
0x16: {  	s16 =	smov.u32 @p2 s12  }
0x17: {  	s14 =	simm.s32 @p2 $0x0;
	p2 =	sgt.s32 s16, $0xFFF  }
0x18: {  	s16 =	smov.u32 @p2 s2;
	p2 =	sne.s32 s11, s7  }
.Ltmp1:
0x19: {  	p1 =	slt.u32 s11, $0x2;
	(pc) =	sbr.rel @!p2 .LBB1_6-.Ltmp1, $4  }
0x1a: {  	s15 =	simm.s32 @!p1 $0x2  }
0x1b: {  	s13 =	smov.u32 s10;
	p0 =	por !p0, !p0;
	_ =	swait.ge @!p1 [sflag:s15], $0x2000  }
0x1c: {  	s12 =	smov.u32 s9;
	[sflag:s15] =	ssyncset.done @!p1 $0x0;
	s9 =	smov.u32 s14  }
0x1d: {  	s11 =	sadd.s32 $0x1, s11;
	[sflag:s15] =	ssyncadd.s32 @!p1 $0xFFFFE000;
	s10 =	smov.u32 s16  }
.LBB1_1:
0x1e: {  	p1 =	sge.u32 s11, s5  }
0x1f: {  	s14 =	sand.u32 @!p1 $0x1FFFFFF, s9  }
0x20: {  	s15 =	smulhi.u32 @!p1 $0x4924925, s14;
	_ =	sdelay $0x1  }
0x21: {  	s15 =	smul.u32 @!p1 $0x38, s15  }
0x22: {  	s16 =	sxor.u32 @!p1 $0xFFFFFFFF, s11;
	s17 =	smul.u32 @!p1 $0x380, s10  }
0x23: {  	s31 =	sadd.s32 $0xFFFFFFFF, s11;
	s16 =	sshll.u32 @!p1 s16, $0xD;
	s14 =	ssub.s32 @!p1 s14, s15  }
0x24: {  	s15 =	sand.u32 @!p1 $0x2000, s16;
	s16 =	sadd.s32 @!p1 s6, s17;
	s14 =	sshll.u32 @!p1 s14, $0x4  }
0x25: {  	s17 =	simm.s32 @!p1 $0x1C00;
	s14 =	sadd.s32 @!p1 s14, s16;
	s16 =	simm.s32 @!p1 $0x40  }
0x26: {  	[tilespmem:s15], [sflag:$0x1] =	stream.strided.gather @!p1 [hbm4b:s14+s16], $0x2000, s17, s16, $0x38;
	[tilespmem:$0x8080] =	vst v63  }
0x27: {  	p1 =	sge.u32 s31, s5  }
.Ltmp2:
0x28: {  	_ = 	snop;
	(pc) =	sbr.rel @p1 .LBB1_5-.Ltmp2, $1  }
0x29: {  	_ =	sdelay $0x3  }
0x2a: {  	s14 =	simm.s32 $0x1  }
0x2b: {  	_ =	swait.ge [sflag:s4], $0x2000;
	s14 =	simm.s32 @!p0 $0x0  }
0x2c: {  	[sflag:s4] =	ssyncset.done $0x0;
	s15 =	sshll.u32 s14, $0xD  }
0x2d: {  	[sflag:s4] =	ssyncadd.s32 $0xFFFFE000;
	s18 =	sor.u32 $0x20, s15  }
0x2e: {  	s14 =	smul.u32 $0x8100, s14;
	v3 =	vld [tilespmem:s18+$0x10]  }
0x2f: {  	s30 =	sand.u32 $0x1, s11;
	v2 =	vld [tilespmem:s18+$0xFFFFFFF0]  }
0x30: {  	s15 =	smul.u32 $0x8100, s30;
	s14 =	sshrl.u32 s14, $0x2;
	v0 =	vld [tilespmem:s18+$0x0]  }
0x31: {  	v1 =	vld [tilespmem:s18+$0xFFFFFFE0];
	s16 =	sor.u32 $0x4000, s14  }
0x32: {  	s31 =	sshrl.u32 s15, $0x2;
	s15 =	sadd.s32 $0x0, s16  }
0x33: {  	s17 =	simm.s32 $0x4;
	s18 =	sadd.s32 $0x40, s18;
	s14 =	sor.u32 $0x4000, s31;
	[tilespmem:s15+$0x1830 ss:$0x81] =	vst.msk $0xffff, v3  }
.LBB1_3:
0x34: {  	v3 =	vld [tilespmem:s18+$0x10];
	p1 =	sne.s32 s17, $0x1FC;
	[tilespmem:s15+$0x810 ss:$0x81] =	vst.msk $0xffff, v2;
	s19 =	smov.u32 s17;
	s17 =	sadd.s32 $0x4, s17  }
.Ltmp3:
0x35: {  	v2 =	vld [tilespmem:s18+$0xFFFFFFF0];
	[tilespmem:s15+$0x1020 ss:$0x81] =	vst.msk $0xffff, v0;
	(pc) =	sbr.rel @p1 .LBB1_3-.Ltmp3, $4  }
0x36: {  	v0 =	vld [tilespmem:s18+$0x0];
	[tilespmem:s15+$0x0 ss:$0x81] =	vst.msk $0xffff, v1  }
0x37: {  	s15 =	sshra.s32 s19, $0x2;
	v1 =	vld [tilespmem:s18+$0xFFFFFFE0]  }
0x38: {  	s15 =	sadd.s32 s15, s16  }
0x39: {  	s18 =	sadd.s32 $0x40, s18;
	[tilespmem:s15+$0x1830 ss:$0x81] =	vst.msk $0xffff, v3  }
.Ltmp4:
0x3a: {  	_ = 	snop;
	(pc) =	sbr.rel .LBB1_4-.Ltmp4, $1  }
0x3b: {  	_ =	sdelay $0x3  }
.LBB1_6:
0x3c: {  	_ =	sfence.sel $0x180000  }
0x3d: {  	s2 =	simm.s32 $0x1;
	[bflag:$0x0] =	sbarrier.arrive $0xFFFF  }
0x3e: {  	s31 =	simm.s32 $0x2;
	[sflag:s2] =	ssyncpa.u1 $0x1  }
0x3f: {  	[sflag:s31] =	ssyncpa.u1 $0x1  }
0x40: {  	p0 =	sne.s32 s0, $0x0;
	_ =	strace $0x9000004A  }
0x41: {  	s0 =	sadd.s32 @!p0 $0x100000, s1;
	[bflag:$0x2] =	sbarrier.arrive $0xFFFF  }
0x42: {  	[sflag:s0] =	ssyncadd.tile.s32 @!p0 $0x1;
	_ =	shalt  }
.Lfunc_end1:
_tile_overlayer_lowered:
.L_overlay_start_2:
0x43: {  	(tag) =	ssettag $0x2  }
0x44: {  	s0 =	rddreg [dreg:$0x0];
	s2 =	stileid.u32  }
0x45: {  	s1 =	rddreg [dreg:$0x1];
	p0 =	sne.s32 s2, $0x0  }
0x46: {  	s3 =	rddreg [dreg:$0x2];
	[bflag:$0x3] =	sbarrier.arrive $0xFFFF;
	s2 =	simm.s32 @!p0 $0x1C01  }
0x47: {  	[timem:s3], [sflag:s2] =	dma.local @!p0 [hbm:s0], s1  }
0x48: {  	s0 =	simm.s32 @!p0 $0x1  }
0x49: {  	_ =	swait.ge @!p0 [sflag:s0], s1  }
0x4a: {  	s1 =	ssub.s32 @!p0 $0x0, s1;
	[sflag:s0] =	ssyncset.done @!p0 $0x0  }
0x4b: {  	[sflag:s0] =	ssyncadd.s32 @!p0 s1  }
0x4c: {  	[bflag:$0x3] =	sbarrier.arrive $0xFFFF  }
0x4d: {  	_ =	shalt  }

</sc_bundles>
